<compile_context>
chip_gen: v7x
topology: tpu7x:2x2x1
jax: 0.10.2.dev20260603
libtpu: 0.0.44.dev20260713+nightly
codegen_flags: <defaults>
</compile_context>

<pallas_src>
import functools

import jax
import jax.numpy as jnp
from jax import lax
from jax.experimental import pallas as pl
from jax.experimental.pallas import tpu as pltpu
from jax.experimental.pallas import tpu_sc as plsc

E = 64
K = 2
D = 768
FF = 512
T = 2048
BLK = 128
NBLK = 96
P = NBLK * BLK
TB = 256

def _gelu_exact(x):
    return 0.5 * x * (1.0 + lax.erf(x * 0.7071067811865476))


def _gate_shared_body(x_ref, gw_ref, ws1_ref, bs1_ref, ws2_ref, bs2_ref,
                      w0_ref, i0_ref, w1_ref, i1_ref, sh_ref):
    x = x_ref[...]
    logits = jax.lax.dot_general(x, gw_ref[...],
                                 (((1,), (1,)), ((), ())))
    m = jnp.max(logits, axis=-1, keepdims=True)
    p = jnp.exp(logits - m)
    s = p / jnp.sum(p, axis=-1, keepdims=True)
    i0 = jnp.argmax(s, axis=-1)
    w0 = jnp.max(s, axis=-1)
    masked = jnp.where(jnp.arange(E)[None, :] == i0[:, None], -jnp.inf, s)
    i1 = jnp.argmax(masked, axis=-1)
    w1 = jnp.max(masked, axis=-1)
    w0_ref[...] = w0
    i0_ref[...] = i0.astype(jnp.int32)
    w1_ref[...] = w1
    i1_ref[...] = i1.astype(jnp.int32)
    h = jnp.dot(x, ws1_ref[...]) + bs1_ref[...]
    h = _gelu_exact(h)
    sh_ref[...] = jnp.dot(h, ws2_ref[...]) + bs2_ref[...]


def _gate_shared(x, gate_w, Ws1, bs1, Ws2, bs2):
    grid = (T // TB,)
    return pl.pallas_call(
        _gate_shared_body,
        grid=grid,
        in_specs=[
            pl.BlockSpec((TB, D), lambda i: (i, 0)),
            pl.BlockSpec((E, D), lambda i: (0, 0)),
            pl.BlockSpec((D, FF), lambda i: (0, 0)),
            pl.BlockSpec((1, FF), lambda i: (0, 0)),
            pl.BlockSpec((FF, D), lambda i: (0, 0)),
            pl.BlockSpec((1, D), lambda i: (0, 0)),
        ],
        out_specs=[
            pl.BlockSpec((TB,), lambda i: (i,)),
            pl.BlockSpec((TB,), lambda i: (i,)),
            pl.BlockSpec((TB,), lambda i: (i,)),
            pl.BlockSpec((TB,), lambda i: (i,)),
            pl.BlockSpec((TB, D), lambda i: (i, 0)),
        ],
        out_shape=[
            jax.ShapeDtypeStruct((T,), jnp.float32),
            jax.ShapeDtypeStruct((T,), jnp.int32),
            jax.ShapeDtypeStruct((T,), jnp.float32),
            jax.ShapeDtypeStruct((T,), jnp.int32),
            jax.ShapeDtypeStruct((T, D), jnp.float32),
        ],
    )(x, gate_w, Ws1, bs1.reshape(1, FF), Ws2, bs2.reshape(1, D))


def _metadata_body(i0_ref, i1_ref, slot_ref, blk_ref):
    f32 = jnp.float32
    ecol = jnp.concatenate([i0_ref[...], i1_ref[...]],
                           axis=1).astype(f32)
    jc32 = lax.broadcasted_iota(jnp.int32, (32, 2048), 1) // 64
    sel = (jc32 == lax.broadcasted_iota(jnp.int32, (32, 2048), 0)).astype(f32)
    ecol_exp = jnp.dot(ecol, sel)
    e_of_j = (lax.broadcasted_iota(jnp.int32, (1, 2048), 1) % 64).astype(f32)
    a_mat = (ecol_exp == e_of_j).astype(f32)
    li = lax.broadcasted_iota(jnp.int32, (128, 128), 0)
    lj = lax.broadcasted_iota(jnp.int32, (128, 128), 1)
    ltri = (lj <= li).astype(f32)
    cum = jnp.dot(ltri, a_mat, precision=lax.Precision.HIGHEST)
    s_row = cum[127:128, :]
    jr = lax.broadcasted_iota(jnp.int32, (2048, 2048), 0)
    jq = lax.broadcasted_iota(jnp.int32, (2048, 2048), 1)
    wx = ((jr % 64 == jq % 64) & (jr // 64 < jq // 64)).astype(f32)
    x_row = jnp.dot(s_row, wx, precision=lax.Precision.HIGHEST)
    sel_e2 = (lax.broadcasted_iota(jnp.int32, (2048, 64), 0) % 64 ==
              lax.broadcasted_iota(jnp.int32, (2048, 64), 1)).astype(f32)
    counts = jnp.dot(s_row, sel_e2, precision=lax.Precision.HIGHEST)
    padded = (((counts.astype(jnp.int32) + BLK - 1) // BLK) * BLK).astype(f32)
    ui = lax.broadcasted_iota(jnp.int32, (64, 64), 0)
    uj = lax.broadcasted_iota(jnp.int32, (64, 64), 1)
    utri = (ui <= uj).astype(f32)
    p_end = jnp.dot(padded, utri, precision=lax.Precision.HIGHEST)
    p_off = p_end - padded
    sel_e = (lax.broadcasted_iota(jnp.int32, (64, 2048), 1) % 64 ==
             lax.broadcasted_iota(jnp.int32, (64, 2048), 0)).astype(f32)
    p_off_exp = jnp.dot(p_off, sel_e, precision=lax.Precision.HIGHEST)
    slot_exp = cum + x_row - 1.0 + p_off_exp
    gsel_t = (lax.broadcasted_iota(jnp.int32, (2048, 32), 0) // 64 ==
              lax.broadcasted_iota(jnp.int32, (2048, 32), 1)).astype(f32)
    slot_mat = jnp.dot(slot_exp * a_mat, gsel_t,
                       precision=lax.Precision.HIGHEST)
    slot_ref[...] = slot_mat.astype(jnp.int32)
    bval = (lax.broadcasted_iota(jnp.int32, (128, 64), 0) * BLK).astype(f32)
    cmp = (p_end <= bval).astype(jnp.int32)
    blk = jnp.minimum(jnp.sum(cmp, axis=1), E - 1)
    nb = (jnp.sum(padded) / BLK).astype(jnp.int32)
    pos128 = lax.broadcasted_iota(jnp.int32, (128,), 0)
    blk_ref[...] = jnp.where(pos128 == NBLK, nb, blk)


def _metadata(i0, i1):
    slot_mat, blk = pl.pallas_call(
        _metadata_body,
        out_shape=[
            jax.ShapeDtypeStruct((128, 32), jnp.int32),
            jax.ShapeDtypeStruct((128,), jnp.int32),
        ],
    )(i0.reshape(128, 16), i1.reshape(128, 16))
    slot0 = slot_mat[:, :16].reshape(-1)
    slot1 = slot_mat[:, 16:].reshape(-1)
    return slot0, slot1, blk


def _ffn_body(be_ref, xs_ref, We1_ref, be1_ref, We2_ref, be2_ref, out_ref):
    @pl.when(pl.program_id(0) < be_ref[NBLK])
    def _():
        h = jnp.dot(xs_ref[...], We1_ref[0]) + be1_ref[0]
        h = _gelu_exact(h)
        out_ref[...] = jnp.dot(h, We2_ref[0]) + be2_ref[0]


def _grouped_ffn(xs, We1, be1, We2, be2, block_expert):
    grid_spec = pltpu.PrefetchScalarGridSpec(
        num_scalar_prefetch=1,
        grid=(NBLK,),
        in_specs=[
            pl.BlockSpec((BLK, D),
                         lambda i, be: (jnp.where(i < be[NBLK], i, 0), 0)),
            pl.BlockSpec((1, D, FF), lambda i, be: (be[i], 0, 0)),
            pl.BlockSpec((1, 1, FF), lambda i, be: (be[i], 0, 0)),
            pl.BlockSpec((1, FF, D), lambda i, be: (be[i], 0, 0)),
            pl.BlockSpec((1, 1, D), lambda i, be: (be[i], 0, 0)),
        ],
        out_specs=pl.BlockSpec(
            (BLK, D), lambda i, be: (jnp.where(i < be[NBLK], i, NBLK), 0)),
    )
    return pl.pallas_call(
        _ffn_body,
        grid_spec=grid_spec,
        out_shape=jax.ShapeDtypeStruct(((NBLK + 1) * BLK, D), jnp.float32),
    )(block_expert, xs, We1, be1.reshape(E, 1, FF), We2,
      be2.reshape(E, 1, D))


def _dispatch(x, sl0, sl1):
    info = plsc.get_sparse_core_info()
    nw = info.num_cores * info.num_subcores
    ct = T // nw
    mesh = plsc.VectorSubcoreMesh(core_axis_name="c", subcore_axis_name="s")

    @functools.partial(
        pl.kernel,
        out_type=jax.ShapeDtypeStruct((P, D), jnp.float32),
        mesh=mesh,
        scratch_types=[
            pltpu.VMEM((ct,), jnp.int32),
            pltpu.VMEM((ct,), jnp.int32),
            pltpu.VMEM((ct, D), jnp.float32),
            pltpu.SemaphoreType.DMA,
        ],
    )
    def k(x_hbm, sl0_hbm, sl1_hbm, xs_hbm, idx0_v, idx1_v, rows_v, sem):
        wid = lax.axis_index("s") * info.num_cores + lax.axis_index("c")
        base = wid * ct
        pltpu.sync_copy(sl0_hbm.at[pl.ds(base, ct)], idx0_v)
        pltpu.sync_copy(sl1_hbm.at[pl.ds(base, ct)], idx1_v)
        pltpu.sync_copy(x_hbm.at[pl.ds(base, ct)], rows_v)
        pltpu.async_copy(rows_v, xs_hbm.at[idx0_v], sem).wait()
        pltpu.async_copy(rows_v, xs_hbm.at[idx1_v], sem).wait()

    return k(x, sl0, sl1)


def kernel(hidden_states, gate_w, We1, be1, We2, be2, Ws1, bs1, Ws2, bs2):
    x = hidden_states.reshape(T, D)
    w0, i0, w1, i1, sh = _gate_shared(x, gate_w, Ws1, bs1, Ws2, bs2)
    slot0, slot1, block_expert = _metadata(i0, i1)
    xs = _dispatch(x, slot0, slot1)
    out_sorted = _grouped_ffn(xs, We1, be1, We2, be2, block_expert)
    y = (w0[:, None] * out_sorted[slot0] + w1[:, None] * out_sorted[slot1]
         + sh)
    return y.reshape(1, T, D)

# --- scband reference (transcript-rebuilt; emitter-appended) ---
"""Pipeline reference for scband-mo-eblock-33389075759482 (READ-ONLY COPY).

The authoritative reference and input builder live on the scoring server;
editing this copy changes nothing except your own understanding.
"""

import jax, jax.numpy as jnp
import numpy as np

E = 64
TOPK = 2
D = 768
FF = 512
B = 1
S = 2048


def setup_inputs(seed: int = 0) -> dict:
    key = jax.random.key(seed)
    ks = jax.random.split(key, 10)
    inp = {
        "hidden_states": jax.random.normal(ks[0], (B, S, D), dtype=jnp.float32),
        "gate_w": jax.random.normal(ks[1], (E, D), dtype=jnp.float32) * 0.02,
        "We1": jax.random.normal(ks[2], (E, D, FF), dtype=jnp.float32) * 0.02,
        "be1": jnp.zeros((E, FF), dtype=jnp.float32),
        "We2": jax.random.normal(ks[3], (E, FF, D), dtype=jnp.float32) * 0.02,
        "be2": jnp.zeros((E, D), dtype=jnp.float32),
        "Ws1": jax.random.normal(ks[4], (D, FF), dtype=jnp.float32) * 0.02,
        "bs1": jnp.zeros((FF,), dtype=jnp.float32),
        "Ws2": jax.random.normal(ks[5], (FF, D), dtype=jnp.float32) * 0.02,
        "bs2": jnp.zeros((D,), dtype=jnp.float32),
    }
    return inp


def reference(hidden_states, gate_w, We1, be1, We2, be2, Ws1, bs1, Ws2, bs2):
    b, s, d = hidden_states.shape
    n_exp = gate_w.shape[0]
    x = hidden_states.reshape(-1, d)
    # MoEGate: linear -> softmax -> top-k (weights are softmax scores at topk, NOT renormalized)
    logits = x @ gate_w.T
    scores = jax.nn.softmax(logits, axis=-1)
    topk_w, topk_idx = jax.lax.top_k(scores, TOPK)
    # combine weights into a dense [T, E] routing matrix (zero for non-selected experts)
    route = (jax.nn.one_hot(topk_idx, n_exp, dtype=x.dtype) * topk_w[..., None]).sum(axis=1)
    # expert FFN: Linear -> exact GELU -> Linear, applied per expert
    h = jnp.einsum('td,edf->tef', x, We1) + be1[None, :, :]
    h = jax.nn.gelu(h, approximate=False)
    out = jnp.einsum('tef,efd->ted', h, We2) + be2[None, :, :]
    y = (out * route[:, :, None]).sum(axis=1)
    # shared expert applied to all tokens
    sh = jax.nn.gelu(x @ Ws1 + bs1, approximate=False) @ Ws2 + bs2
    y = y + sh
    return y.reshape(b, s, d)

if __name__ == "__main__":
    import jax
    _d = setup_inputs()
    print(jax.jit(kernel)(*tuple(_d.values())))

</pallas_src>

<mosaic_0001>
#map = affine_map<(d0, d1) -> (0, 0)>
#map1 = affine_map<(d0, d1) -> (0)>
module attributes {stable_mosaic.version = 14 : i64} {
  func.func @k(%arg0: i32, %arg1: i32, %arg2: memref<2048x768xf32, #tpu.memory_space<hbm>>, %arg3: memref<2048xi32, #tpu.memory_space<hbm>>, %arg4: memref<2048xi32, #tpu.memory_space<hbm>>, %arg5: memref<12288x768xf32, #tpu.memory_space<hbm>>, %arg6: memref<64xi32, #tpu.memory_space<vmem>>, %arg7: memref<64xi32, #tpu.memory_space<vmem>>, %arg8: memref<64x768xf32, #tpu.memory_space<vmem>>, %arg9: memref<!tpu.dma_semaphore, #tpu.memory_space<semaphore_mem>>) attributes {dimension_semantics = [#tpu.dimension_semantics<core_parallel>, #tpu.dimension_semantics<subcore_parallel>], iteration_bounds = array<i64: 2, 16>, scalar_prefetch = 0 : i64, scratch_operands = 4 : i64, tpu.core_type = #tpu.core_type<sc_vector_subcore>, window_params = [{transform_indices = #map}, {transform_indices = #map1}, {transform_indices = #map1}, {transform_indices = #map}]} {
    %mul3A = arith.constant 2 : i32
    %mul3A_0 = arith.muli %arg1, %mul3A : i32
    %add3A = arith.addi %mul3A_0, %arg0 : i32
    %mul3A_1 = arith.constant 64 : i32
    %mul3A_2 = arith.muli %add3A, %mul3A_1 : i32
    "tpu.region"() ({
      %run_scoped3A = tpu.sem_alloc : memref<!tpu.dma_semaphore, #tpu.memory_space<semaphore_mem>>
      %dma_start3A_13 = tpu.memref_slice %arg3[%mul3A_2] : memref<2048xi32, #tpu.memory_space<hbm>> -> memref<64xi32, #tpu.memory_space<hbm>>
      %dma_start3A_14 = tpu.memref_slice %arg3[%mul3A_2] : memref<2048xi32, #tpu.memory_space<hbm>> -> memref<64xi32, #tpu.memory_space<hbm>>
      tpu.enqueue_dma source(%dma_start3A_14 : memref<64xi32, #tpu.memory_space<hbm>>) target(%arg6 : memref<64xi32, #tpu.memory_space<vmem>>) target_semaphore(%run_scoped3A : memref<!tpu.dma_semaphore, #tpu.memory_space<semaphore_mem>>)
      %dma_wait3A_15 = tpu.memref_slice %arg3[%mul3A_2] : memref<2048xi32, #tpu.memory_space<hbm>> -> memref<64xi32, #tpu.memory_space<hbm>>
      %dma_wait3A_16 = tpu.memref_slice %arg3[%mul3A_2] : memref<2048xi32, #tpu.memory_space<hbm>> -> memref<64xi32, #tpu.memory_space<hbm>>
      tpu.wait_dma2 semaphore(%run_scoped3A : memref<!tpu.dma_semaphore, #tpu.memory_space<semaphore_mem>>) src(%dma_wait3A_16 : memref<64xi32, #tpu.memory_space<hbm>>) dst(%arg6 : memref<64xi32, #tpu.memory_space<vmem>>)
      tpu.yield
    }) : () -> ()
    "tpu.region"() ({
      %run_scoped3A = tpu.sem_alloc : memref<!tpu.dma_semaphore, #tpu.memory_space<semaphore_mem>>
      %dma_start3A_13 = tpu.memref_slice %arg4[%mul3A_2] : memref<2048xi32, #tpu.memory_space<hbm>> -> memref<64xi32, #tpu.memory_space<hbm>>
      %dma_start3A_14 = tpu.memref_slice %arg4[%mul3A_2] : memref<2048xi32, #tpu.memory_space<hbm>> -> memref<64xi32, #tpu.memory_space<hbm>>
      tpu.enqueue_dma source(%dma_start3A_14 : memref<64xi32, #tpu.memory_space<hbm>>) target(%arg7 : memref<64xi32, #tpu.memory_space<vmem>>) target_semaphore(%run_scoped3A : memref<!tpu.dma_semaphore, #tpu.memory_space<semaphore_mem>>)
      %dma_wait3A_15 = tpu.memref_slice %arg4[%mul3A_2] : memref<2048xi32, #tpu.memory_space<hbm>> -> memref<64xi32, #tpu.memory_space<hbm>>
      %dma_wait3A_16 = tpu.memref_slice %arg4[%mul3A_2] : memref<2048xi32, #tpu.memory_space<hbm>> -> memref<64xi32, #tpu.memory_space<hbm>>
      tpu.wait_dma2 semaphore(%run_scoped3A : memref<!tpu.dma_semaphore, #tpu.memory_space<semaphore_mem>>) src(%dma_wait3A_16 : memref<64xi32, #tpu.memory_space<hbm>>) dst(%arg7 : memref<64xi32, #tpu.memory_space<vmem>>)
      tpu.yield
    }) : () -> ()
    "tpu.region"() ({
      %run_scoped3A = tpu.sem_alloc : memref<!tpu.dma_semaphore, #tpu.memory_space<semaphore_mem>>
      %dma_start3A_13 = arith.constant 0 : i32
      %dma_start3A_14 = tpu.memref_slice %arg2[%mul3A_2, %dma_start3A_13] : memref<2048x768xf32, #tpu.memory_space<hbm>> -> memref<64x768xf32, #tpu.memory_space<hbm>>
      %dma_start3A_15 = arith.constant 0 : i32
      %dma_start3A_16 = tpu.memref_slice %arg2[%mul3A_2, %dma_start3A_15] : memref<2048x768xf32, #tpu.memory_space<hbm>> -> memref<64x768xf32, #tpu.memory_space<hbm>>
      tpu.enqueue_dma source(%dma_start3A_16 : memref<64x768xf32, #tpu.memory_space<hbm>>) target(%arg8 : memref<64x768xf32, #tpu.memory_space<vmem>>) target_semaphore(%run_scoped3A : memref<!tpu.dma_semaphore, #tpu.memory_space<semaphore_mem>>)
      %dma_wait3A_17 = arith.constant 0 : i32
      %dma_wait3A_18 = tpu.memref_slice %arg2[%mul3A_2, %dma_wait3A_17] : memref<2048x768xf32, #tpu.memory_space<hbm>> -> memref<64x768xf32, #tpu.memory_space<hbm>>
      %dma_wait3A_19 = arith.constant 0 : i32
      %dma_wait3A_20 = tpu.memref_slice %arg2[%mul3A_2, %dma_wait3A_19] : memref<2048x768xf32, #tpu.memory_space<hbm>> -> memref<64x768xf32, #tpu.memory_space<hbm>>
      tpu.wait_dma2 semaphore(%run_scoped3A : memref<!tpu.dma_semaphore, #tpu.memory_space<semaphore_mem>>) src(%dma_wait3A_20 : memref<64x768xf32, #tpu.memory_space<hbm>>) dst(%arg8 : memref<64x768xf32, #tpu.memory_space<vmem>>)
      tpu.yield
    }) : () -> ()
    %dma_start3A = arith.constant 0 : i32
    %dma_start3A_3 = arith.constant 0 : i32
    %dma_start3A_4 = tpu.memref_slice %arg5[%dma_start3A, %dma_start3A_3] : memref<12288x768xf32, #tpu.memory_space<hbm>> -> memref<12288x768xf32, #tpu.memory_space<hbm>>
    tpu.enqueue_indirect_dma source(%arg8 : memref<64x768xf32, #tpu.memory_space<vmem>>) target(%dma_start3A_4 : memref<12288x768xf32, #tpu.memory_space<hbm>>) offsets(%arg6 : memref<64xi32, #tpu.memory_space<vmem>>) semaphore(%arg9 : memref<!tpu.dma_semaphore, #tpu.memory_space<semaphore_mem>>)
    %dma_wait3A = arith.constant 0 : i32
    %dma_wait3A_5 = arith.constant 0 : i32
    %dma_wait3A_6 = tpu.memref_slice %arg5[%dma_wait3A, %dma_wait3A_5] : memref<12288x768xf32, #tpu.memory_space<hbm>> -> memref<12288x768xf32, #tpu.memory_space<hbm>>
    tpu.wait_indirect_dma semaphore(%arg9 : memref<!tpu.dma_semaphore, #tpu.memory_space<semaphore_mem>>) src(%arg8 : memref<64x768xf32, #tpu.memory_space<vmem>>) dst(%dma_wait3A_6 : memref<12288x768xf32, #tpu.memory_space<hbm>>)
    %dma_start3A_7 = arith.constant 0 : i32
    %dma_start3A_8 = arith.constant 0 : i32
    %dma_start3A_9 = tpu.memref_slice %arg5[%dma_start3A_7, %dma_start3A_8] : memref<12288x768xf32, #tpu.memory_space<hbm>> -> memref<12288x768xf32, #tpu.memory_space<hbm>>
    tpu.enqueue_indirect_dma source(%arg8 : memref<64x768xf32, #tpu.memory_space<vmem>>) target(%dma_start3A_9 : memref<12288x768xf32, #tpu.memory_space<hbm>>) offsets(%arg7 : memref<64xi32, #tpu.memory_space<vmem>>) semaphore(%arg9 : memref<!tpu.dma_semaphore, #tpu.memory_space<semaphore_mem>>)
    %dma_wait3A_10 = arith.constant 0 : i32
    %dma_wait3A_11 = arith.constant 0 : i32
    %dma_wait3A_12 = tpu.memref_slice %arg5[%dma_wait3A_10, %dma_wait3A_11] : memref<12288x768xf32, #tpu.memory_space<hbm>> -> memref<12288x768xf32, #tpu.memory_space<hbm>>
    tpu.wait_indirect_dma semaphore(%arg9 : memref<!tpu.dma_semaphore, #tpu.memory_space<semaphore_mem>>) src(%arg8 : memref<64x768xf32, #tpu.memory_space<vmem>>) dst(%dma_wait3A_12 : memref<12288x768xf32, #tpu.memory_space<hbm>>)
    return
  }
}

module attributes {stable_mosaic.version = 14 : i64} {
  func.func @_metadata_body(%arg0: memref<128x16xi32, #tpu.memory_space<vmem>>, %arg1: memref<128x16xi32, #tpu.memory_space<vmem>>, %arg2: memref<128x32xi32, #tpu.memory_space<vmem>>, %arg3: memref<128xi32, #tpu.memory_space<vmem>>) attributes {dimension_semantics = [], scalar_prefetch = 0 : i64, scratch_operands = 0 : i64, tpu.core_type = #tpu.core_type<tc>} {
    %get3A = arith.constant 0 : index
    %get3A_0 = arith.constant 0 : index
    %get3A_1 = vector.load %arg0[%get3A, %get3A_0] : memref<128x16xi32, #tpu.memory_space<vmem>>, vector<128x16xi32>
    %get3A_2 = arith.constant 0 : index
    %get3A_3 = arith.constant 0 : index
    %get3A_4 = vector.load %arg1[%get3A_2, %get3A_3] : memref<128x16xi32, #tpu.memory_space<vmem>>, vector<128x16xi32>
    %concatenate3A = tpu.concatenate %get3A_1, %get3A_4 in 1 : vector<128x16xi32>, vector<128x16xi32> -> vector<128x32xi32>
    %convert_element_type3A = arith.sitofp %concatenate3A : vector<128x32xi32> to vector<128x32xf32>
    %iota3A = tpu.iota {dimensions = array<i32: 1>} : vector<32x2048xi32>
    %jit3A = arith.constant 64 : i32
    %div3A = vector.broadcast %jit3A : i32 to vector<32x2048xi32>
    %div3A_5 = arith.divsi %iota3A, %div3A : vector<32x2048xi32>
    %sign3A = arith.constant 0 : i32
    %sign3A_6 = vector.broadcast %sign3A : i32 to vector<32x2048xi32>
    %sign3A_7 = arith.cmpi sgt, %iota3A, %sign3A_6 : vector<32x2048xi32>
    %sign3A_8 = arith.extui %sign3A_7 : vector<32x2048xi1> to vector<32x2048xi32>
    %sign3A_9 = arith.constant 0 : i32
    %sign3A_10 = vector.broadcast %sign3A_9 : i32 to vector<32x2048xi32>
    %sign3A_11 = arith.cmpi slt, %iota3A, %sign3A_10 : vector<32x2048xi32>
    %sign3A_12 = arith.extui %sign3A_11 : vector<32x2048xi1> to vector<32x2048xi32>
    %sign3A_13 = arith.subi %sign3A_8, %sign3A_12 : vector<32x2048xi32>
    %sign3A_14 = arith.constant 0 : i32
    %sign3A_15 = arith.cmpi sgt, %jit3A, %sign3A_14 : i32
    %sign3A_16 = arith.extui %sign3A_15 : i1 to i32
    %sign3A_17 = arith.constant 0 : i32
    %sign3A_18 = arith.cmpi slt, %jit3A, %sign3A_17 : i32
    %sign3A_19 = arith.extui %sign3A_18 : i1 to i32
    %sign3A_20 = arith.subi %sign3A_16, %sign3A_19 : i32
    %ne3A = vector.broadcast %sign3A_20 : i32 to vector<32x2048xi32>
    %ne3A_21 = arith.cmpi ne, %sign3A_13, %ne3A : vector<32x2048xi32>
    %rem3A = vector.broadcast %jit3A : i32 to vector<32x2048xi32>
    %rem3A_22 = arith.remsi %iota3A, %rem3A : vector<32x2048xi32>
    %ne3A_23 = arith.constant 0 : i32
    %ne3A_24 = vector.broadcast %ne3A_23 : i32 to vector<32x2048xi32>
    %ne3A_25 = arith.cmpi ne, %rem3A_22, %ne3A_24 : vector<32x2048xi32>
    %and3A = arith.andi %ne3A_21, %ne3A_25 : vector<32x2048xi1>
    %sub3A = arith.constant 1 : i32
    %sub3A_26 = vector.broadcast %sub3A : i32 to vector<32x2048xi32>
    %sub3A_27 = arith.subi %div3A_5, %sub3A_26 : vector<32x2048xi32>
    %select_n3A = arith.select %and3A, %sub3A_27, %div3A_5 : vector<32x2048xi1>, vector<32x2048xi32>
    %iota3A_28 = tpu.iota {dimensions = array<i32: 0>} : vector<32x2048xi32>
    %eq3A = arith.cmpi eq, %select_n3A, %iota3A_28 : vector<32x2048xi32>
    %convert_element_type3A_29 = arith.extui %eq3A : vector<32x2048xi1> to vector<32x2048xi32>
    %convert_element_type3A_30 = arith.sitofp %convert_element_type3A_29 : vector<32x2048xi32> to vector<32x2048xf32>
    %dot_general3A = arith.constant dense<0.000000e+00> : vector<128x2048xf32>
    %dot_general3A_31 = tpu.matmul %convert_element_type3A, %convert_element_type3A_30, %dot_general3A {dimension_numbers = #tpu.dot_dimension_numbers<[1], [0], [0], [1], [0, 0, 1, 1], [], []>, transpose_lhs_hint = false} : vector<128x32xf32>, vector<32x2048xf32>, vector<128x2048xf32> -> vector<128x2048xf32>
    %iota3A_32 = tpu.iota {dimensions = array<i32: 1>} : vector<1x2048xi32>
    %jit3A_33 = arith.constant 64 : i32
    %eq3A_34 = arith.constant 0 : i32
    %eq3A_35 = arith.cmpi eq, %jit3A_33, %eq3A_34 : i32
    %jit3A_36 = arith.constant 1 : i32
    %select_n3A_37 = arith.select %eq3A_35, %jit3A_36, %jit3A_33 : i32
    %rem3A_38 = vector.broadcast %select_n3A_37 : i32 to vector<1x2048xi32>
    %rem3A_39 = arith.remsi %iota3A_32, %rem3A_38 : vector<1x2048xi32>
    %ne3A_40 = arith.constant 0 : i32
    %ne3A_41 = vector.broadcast %ne3A_40 : i32 to vector<1x2048xi32>
    %ne3A_42 = arith.cmpi ne, %rem3A_39, %ne3A_41 : vector<1x2048xi32>
    %lt3A = arith.constant 0 : i32
    %lt3A_43 = vector.broadcast %lt3A : i32 to vector<1x2048xi32>
    %lt3A_44 = arith.cmpi slt, %rem3A_39, %lt3A_43 : vector<1x2048xi32>
    %lt3A_45 = arith.constant 0 : i32
    %lt3A_46 = arith.cmpi slt, %select_n3A_37, %lt3A_45 : i32
    %ne3A_47 = vector.broadcast %lt3A_46 : i1 to vector<1x2048xi1>
    %ne3A_48 = vector.broadcast %ne3A_47 : vector<1x2048xi1> to vector<1x2048xi1>
    %ne3A_49 = arith.xori %lt3A_44, %ne3A_48 : vector<1x2048xi1>
    %and3A_50 = arith.andi %ne3A_49, %ne3A_42 : vector<1x2048xi1>
    %add3A = vector.broadcast %select_n3A_37 : i32 to vector<1x2048xi32>
    %add3A_51 = arith.addi %rem3A_39, %add3A : vector<1x2048xi32>
    %select_n3A_52 = arith.select %and3A_50, %add3A_51, %rem3A_39 : vector<1x2048xi1>, vector<1x2048xi32>
    %convert_element_type3A_53 = arith.sitofp %select_n3A_52 : vector<1x2048xi32> to vector<1x2048xf32>
    %eq3A_54 = vector.broadcast %convert_element_type3A_53 : vector<1x2048xf32> to vector<128x2048xf32>
    %eq3A_55 = arith.cmpf oeq, %dot_general3A_31, %eq3A_54 : vector<128x2048xf32>
    %convert_element_type3A_56 = arith.extui %eq3A_55 : vector<128x2048xi1> to vector<128x2048xi32>
    %convert_element_type3A_57 = arith.sitofp %convert_element_type3A_56 : vector<128x2048xi32> to vector<128x2048xf32>
    %iota3A_58 = tpu.iota {dimensions = array<i32: 0>} : vector<128x128xi32>
    %iota3A_59 = tpu.iota {dimensions = array<i32: 1>} : vector<128x128xi32>
    %le3A = arith.cmpi sle, %iota3A_59, %iota3A_58 : vector<128x128xi32>
    %convert_element_type3A_60 = arith.extui %le3A : vector<128x128xi1> to vector<128x128xi32>
    %convert_element_type3A_61 = arith.sitofp %convert_element_type3A_60 : vector<128x128xi32> to vector<128x128xf32>
    %dot_general3A_62 = arith.constant dense<0.000000e+00> : vector<128x2048xf32>
    %dot_general3A_63 = tpu.matmul %convert_element_type3A_61, %convert_element_type3A_57, %dot_general3A_62 {dimension_numbers = #tpu.dot_dimension_numbers<[1], [0], [0], [1], [0, 0, 1, 1], [], []>, precision = #tpu.contract_precision<fp32>, transpose_lhs_hint = false} : vector<128x128xf32>, vector<128x2048xf32>, vector<128x2048xf32> -> vector<128x2048xf32>
    %slice3A = vector.extract_strided_slice %dot_general3A_63 {offsets = [127, 0], sizes = [1, 2048], strides = [1, 1]} : vector<128x2048xf32> to vector<1x2048xf32>
    %iota3A_64 = tpu.iota {dimensions = array<i32: 0>} : vector<2048x2048xi32>
    %iota3A_65 = tpu.iota {dimensions = array<i32: 1>} : vector<2048x2048xi32>
    %jit3A_66 = arith.constant 64 : i32
    %eq3A_67 = arith.constant 0 : i32
    %eq3A_68 = arith.cmpi eq, %jit3A_66, %eq3A_67 : i32
    %jit3A_69 = arith.constant 1 : i32
    %select_n3A_70 = arith.select %eq3A_68, %jit3A_69, %jit3A_66 : i32
    %rem3A_71 = vector.broadcast %select_n3A_70 : i32 to vector<2048x2048xi32>
    %rem3A_72 = arith.remsi %iota3A_64, %rem3A_71 : vector<2048x2048xi32>
    %ne3A_73 = arith.constant 0 : i32
    %ne3A_74 = vector.broadcast %ne3A_73 : i32 to vector<2048x2048xi32>
    %ne3A_75 = arith.cmpi ne, %rem3A_72, %ne3A_74 : vector<2048x2048xi32>
    %lt3A_76 = arith.constant 0 : i32
    %lt3A_77 = vector.broadcast %lt3A_76 : i32 to vector<2048x2048xi32>
    %lt3A_78 = arith.cmpi slt, %rem3A_72, %lt3A_77 : vector<2048x2048xi32>
    %lt3A_79 = arith.constant 0 : i32
    %lt3A_80 = arith.cmpi slt, %select_n3A_70, %lt3A_79 : i32
    %ne3A_81 = vector.broadcast %lt3A_80 : i1 to vector<2048x2048xi1>
    %ne3A_82 = vector.broadcast %ne3A_81 : vector<2048x2048xi1> to vector<2048x2048xi1>
    %ne3A_83 = arith.xori %lt3A_78, %ne3A_82 : vector<2048x2048xi1>
    %and3A_84 = arith.andi %ne3A_83, %ne3A_75 : vector<2048x2048xi1>
    %add3A_85 = vector.broadcast %select_n3A_70 : i32 to vector<2048x2048xi32>
    %add3A_86 = arith.addi %rem3A_72, %add3A_85 : vector<2048x2048xi32>
    %select_n3A_87 = arith.select %and3A_84, %add3A_86, %rem3A_72 : vector<2048x2048xi1>, vector<2048x2048xi32>
    %jit3A_88 = arith.constant 64 : i32
    %eq3A_89 = arith.constant 0 : i32
    %eq3A_90 = arith.cmpi eq, %jit3A_88, %eq3A_89 : i32
    %jit3A_91 = arith.constant 1 : i32
    %select_n3A_92 = arith.select %eq3A_90, %jit3A_91, %jit3A_88 : i32
    %rem3A_93 = vector.broadcast %select_n3A_92 : i32 to vector<2048x2048xi32>
    %rem3A_94 = arith.remsi %iota3A_65, %rem3A_93 : vector<2048x2048xi32>
    %ne3A_95 = arith.constant 0 : i32
    %ne3A_96 = vector.broadcast %ne3A_95 : i32 to vector<2048x2048xi32>
    %ne3A_97 = arith.cmpi ne, %rem3A_94, %ne3A_96 : vector<2048x2048xi32>
    %lt3A_98 = arith.constant 0 : i32
    %lt3A_99 = vector.broadcast %lt3A_98 : i32 to vector<2048x2048xi32>
    %lt3A_100 = arith.cmpi slt, %rem3A_94, %lt3A_99 : vector<2048x2048xi32>
    %lt3A_101 = arith.constant 0 : i32
    %lt3A_102 = arith.cmpi slt, %select_n3A_92, %lt3A_101 : i32
    %ne3A_103 = vector.broadcast %lt3A_102 : i1 to vector<2048x2048xi1>
    %ne3A_104 = vector.broadcast %ne3A_103 : vector<2048x2048xi1> to vector<2048x2048xi1>
    %ne3A_105 = arith.xori %lt3A_100, %ne3A_104 : vector<2048x2048xi1>
    %and3A_106 = arith.andi %ne3A_105, %ne3A_97 : vector<2048x2048xi1>
    %add3A_107 = vector.broadcast %select_n3A_92 : i32 to vector<2048x2048xi32>
    %add3A_108 = arith.addi %rem3A_94, %add3A_107 : vector<2048x2048xi32>
    %select_n3A_109 = arith.select %and3A_106, %add3A_108, %rem3A_94 : vector<2048x2048xi1>, vector<2048x2048xi32>
    %eq3A_110 = arith.cmpi eq, %select_n3A_87, %select_n3A_109 : vector<2048x2048xi32>
    %jit3A_111 = arith.constant 64 : i32
    %div3A_112 = vector.broadcast %jit3A_111 : i32 to vector<2048x2048xi32>
    %div3A_113 = arith.divsi %iota3A_64, %div3A_112 : vector<2048x2048xi32>
    %sign3A_114 = arith.constant 0 : i32
    %sign3A_115 = vector.broadcast %sign3A_114 : i32 to vector<2048x2048xi32>
    %sign3A_116 = arith.cmpi sgt, %iota3A_64, %sign3A_115 : vector<2048x2048xi32>
    %sign3A_117 = arith.extui %sign3A_116 : vector<2048x2048xi1> to vector<2048x2048xi32>
    %sign3A_118 = arith.constant 0 : i32
    %sign3A_119 = vector.broadcast %sign3A_118 : i32 to vector<2048x2048xi32>
    %sign3A_120 = arith.cmpi slt, %iota3A_64, %sign3A_119 : vector<2048x2048xi32>
    %sign3A_121 = arith.extui %sign3A_120 : vector<2048x2048xi1> to vector<2048x2048xi32>
    %sign3A_122 = arith.subi %sign3A_117, %sign3A_121 : vector<2048x2048xi32>
    %sign3A_123 = arith.constant 0 : i32
    %sign3A_124 = arith.cmpi sgt, %jit3A_111, %sign3A_123 : i32
    %sign3A_125 = arith.extui %sign3A_124 : i1 to i32
    %sign3A_126 = arith.constant 0 : i32
    %sign3A_127 = arith.cmpi slt, %jit3A_111, %sign3A_126 : i32
    %sign3A_128 = arith.extui %sign3A_127 : i1 to i32
    %sign3A_129 = arith.subi %sign3A_125, %sign3A_128 : i32
    %ne3A_130 = vector.broadcast %sign3A_129 : i32 to vector<2048x2048xi32>
    %ne3A_131 = arith.cmpi ne, %sign3A_122, %ne3A_130 : vector<2048x2048xi32>
    %rem3A_132 = vector.broadcast %jit3A_111 : i32 to vector<2048x2048xi32>
    %rem3A_133 = arith.remsi %iota3A_64, %rem3A_132 : vector<2048x2048xi32>
    %ne3A_134 = arith.constant 0 : i32
    %ne3A_135 = vector.broadcast %ne3A_134 : i32 to vector<2048x2048xi32>
    %ne3A_136 = arith.cmpi ne, %rem3A_133, %ne3A_135 : vector<2048x2048xi32>
    %and3A_137 = arith.andi %ne3A_131, %ne3A_136 : vector<2048x2048xi1>
    %sub3A_138 = arith.constant 1 : i32
    %sub3A_139 = vector.broadcast %sub3A_138 : i32 to vector<2048x2048xi32>
    %sub3A_140 = arith.subi %div3A_113, %sub3A_139 : vector<2048x2048xi32>
    %select_n3A_141 = arith.select %and3A_137, %sub3A_140, %div3A_113 : vector<2048x2048xi1>, vector<2048x2048xi32>
    %jit3A_142 = arith.constant 64 : i32
    %div3A_143 = vector.broadcast %jit3A_142 : i32 to vector<2048x2048xi32>
    %div3A_144 = arith.divsi %iota3A_65, %div3A_143 : vector<2048x2048xi32>
    %sign3A_145 = arith.constant 0 : i32
    %sign3A_146 = vector.broadcast %sign3A_145 : i32 to vector<2048x2048xi32>
    %sign3A_147 = arith.cmpi sgt, %iota3A_65, %sign3A_146 : vector<2048x2048xi32>
    %sign3A_148 = arith.extui %sign3A_147 : vector<2048x2048xi1> to vector<2048x2048xi32>
    %sign3A_149 = arith.constant 0 : i32
    %sign3A_150 = vector.broadcast %sign3A_149 : i32 to vector<2048x2048xi32>
    %sign3A_151 = arith.cmpi slt, %iota3A_65, %sign3A_150 : vector<2048x2048xi32>
    %sign3A_152 = arith.extui %sign3A_151 : vector<2048x2048xi1> to vector<2048x2048xi32>
    %sign3A_153 = arith.subi %sign3A_148, %sign3A_152 : vector<2048x2048xi32>
    %sign3A_154 = arith.constant 0 : i32
    %sign3A_155 = arith.cmpi sgt, %jit3A_142, %sign3A_154 : i32
    %sign3A_156 = arith.extui %sign3A_155 : i1 to i32
    %sign3A_157 = arith.constant 0 : i32
    %sign3A_158 = arith.cmpi slt, %jit3A_142, %sign3A_157 : i32
    %sign3A_159 = arith.extui %sign3A_158 : i1 to i32
    %sign3A_160 = arith.subi %sign3A_156, %sign3A_159 : i32
    %ne3A_161 = vector.broadcast %sign3A_160 : i32 to vector<2048x2048xi32>
    %ne3A_162 = arith.cmpi ne, %sign3A_153, %ne3A_161 : vector<2048x2048xi32>
    %rem3A_163 = vector.broadcast %jit3A_142 : i32 to vector<2048x2048xi32>
    %rem3A_164 = arith.remsi %iota3A_65, %rem3A_163 : vector<2048x2048xi32>
    %ne3A_165 = arith.constant 0 : i32
    %ne3A_166 = vector.broadcast %ne3A_165 : i32 to vector<2048x2048xi32>
    %ne3A_167 = arith.cmpi ne, %rem3A_164, %ne3A_166 : vector<2048x2048xi32>
    %and3A_168 = arith.andi %ne3A_162, %ne3A_167 : vector<2048x2048xi1>
    %sub3A_169 = arith.constant 1 : i32
    %sub3A_170 = vector.broadcast %sub3A_169 : i32 to vector<2048x2048xi32>
    %sub3A_171 = arith.subi %div3A_144, %sub3A_170 : vector<2048x2048xi32>
    %select_n3A_172 = arith.select %and3A_168, %sub3A_171, %div3A_144 : vector<2048x2048xi1>, vector<2048x2048xi32>
    %lt3A_173 = arith.cmpi slt, %select_n3A_141, %select_n3A_172 : vector<2048x2048xi32>
    %and3A_174 = arith.andi %eq3A_110, %lt3A_173 : vector<2048x2048xi1>
    %convert_element_type3A_175 = arith.extui %and3A_174 : vector<2048x2048xi1> to vector<2048x2048xi32>
    %convert_element_type3A_176 = arith.sitofp %convert_element_type3A_175 : vector<2048x2048xi32> to vector<2048x2048xf32>
    %dot_general3A_177 = arith.constant dense<0.000000e+00> : vector<1x2048xf32>
    %dot_general3A_178 = tpu.matmul %slice3A, %convert_element_type3A_176, %dot_general3A_177 {dimension_numbers = #tpu.dot_dimension_numbers<[1], [0], [0], [1], [0, 0, 1, 1], [], []>, precision = #tpu.contract_precision<fp32>, transpose_lhs_hint = false} : vector<1x2048xf32>, vector<2048x2048xf32>, vector<1x2048xf32> -> vector<1x2048xf32>
    %iota3A_179 = tpu.iota {dimensions = array<i32: 0>} : vector<2048x64xi32>
    %jit3A_180 = arith.constant 64 : i32
    %eq3A_181 = arith.constant 0 : i32
    %eq3A_182 = arith.cmpi eq, %jit3A_180, %eq3A_181 : i32
    %jit3A_183 = arith.constant 1 : i32
    %select_n3A_184 = arith.select %eq3A_182, %jit3A_183, %jit3A_180 : i32
    %rem3A_185 = vector.broadcast %select_n3A_184 : i32 to vector<2048x64xi32>
    %rem3A_186 = arith.remsi %iota3A_179, %rem3A_185 : vector<2048x64xi32>
    %ne3A_187 = arith.constant 0 : i32
    %ne3A_188 = vector.broadcast %ne3A_187 : i32 to vector<2048x64xi32>
    %ne3A_189 = arith.cmpi ne, %rem3A_186, %ne3A_188 : vector<2048x64xi32>
    %lt3A_190 = arith.constant 0 : i32
    %lt3A_191 = vector.broadcast %lt3A_190 : i32 to vector<2048x64xi32>
    %lt3A_192 = arith.cmpi slt, %rem3A_186, %lt3A_191 : vector<2048x64xi32>
    %lt3A_193 = arith.constant 0 : i32
    %lt3A_194 = arith.cmpi slt, %select_n3A_184, %lt3A_193 : i32
    %ne3A_195 = vector.broadcast %lt3A_194 : i1 to vector<2048x64xi1>
    %ne3A_196 = vector.broadcast %ne3A_195 : vector<2048x64xi1> to vector<2048x64xi1>
    %ne3A_197 = arith.xori %lt3A_192, %ne3A_196 : vector<2048x64xi1>
    %and3A_198 = arith.andi %ne3A_197, %ne3A_189 : vector<2048x64xi1>
    %add3A_199 = vector.broadcast %select_n3A_184 : i32 to vector<2048x64xi32>
    %add3A_200 = arith.addi %rem3A_186, %add3A_199 : vector<2048x64xi32>
    %select_n3A_201 = arith.select %and3A_198, %add3A_200, %rem3A_186 : vector<2048x64xi1>, vector<2048x64xi32>
    %iota3A_202 = tpu.iota {dimensions = array<i32: 1>} : vector<2048x64xi32>
    %eq3A_203 = arith.cmpi eq, %select_n3A_201, %iota3A_202 : vector<2048x64xi32>
    %convert_element_type3A_204 = arith.extui %eq3A_203 : vector<2048x64xi1> to vector<2048x64xi32>
    %convert_element_type3A_205 = arith.sitofp %convert_element_type3A_204 : vector<2048x64xi32> to vector<2048x64xf32>
    %dot_general3A_206 = arith.constant dense<0.000000e+00> : vector<1x64xf32>
    %dot_general3A_207 = tpu.matmul %slice3A, %convert_element_type3A_205, %dot_general3A_206 {dimension_numbers = #tpu.dot_dimension_numbers<[1], [0], [0], [1], [0, 0, 1, 1], [], []>, precision = #tpu.contract_precision<fp32>, transpose_lhs_hint = false} : vector<1x2048xf32>, vector<2048x64xf32>, vector<1x64xf32> -> vector<1x64xf32>
    %convert_element_type3A_208 = arith.fptosi %dot_general3A_207 : vector<1x64xf32> to vector<1x64xi32>
    %add3A_209 = arith.constant 128 : i32
    %add3A_210 = vector.broadcast %add3A_209 : i32 to vector<1x64xi32>
    %add3A_211 = arith.addi %convert_element_type3A_208, %add3A_210 : vector<1x64xi32>
    %sub3A_212 = arith.constant 1 : i32
    %sub3A_213 = vector.broadcast %sub3A_212 : i32 to vector<1x64xi32>
    %sub3A_214 = arith.subi %add3A_211, %sub3A_213 : vector<1x64xi32>
    %jit3A_215 = arith.constant 128 : i32
    %div3A_216 = vector.broadcast %jit3A_215 : i32 to vector<1x64xi32>
    %div3A_217 = arith.divsi %sub3A_214, %div3A_216 : vector<1x64xi32>
    %sign3A_218 = arith.constant 0 : i32
    %sign3A_219 = vector.broadcast %sign3A_218 : i32 to vector<1x64xi32>
    %sign3A_220 = arith.cmpi sgt, %sub3A_214, %sign3A_219 : vector<1x64xi32>
    %sign3A_221 = arith.extui %sign3A_220 : vector<1x64xi1> to vector<1x64xi32>
    %sign3A_222 = arith.constant 0 : i32
    %sign3A_223 = vector.broadcast %sign3A_222 : i32 to vector<1x64xi32>
    %sign3A_224 = arith.cmpi slt, %sub3A_214, %sign3A_223 : vector<1x64xi32>
    %sign3A_225 = arith.extui %sign3A_224 : vector<1x64xi1> to vector<1x64xi32>
    %sign3A_226 = arith.subi %sign3A_221, %sign3A_225 : vector<1x64xi32>
    %sign3A_227 = arith.constant 0 : i32
    %sign3A_228 = arith.cmpi sgt, %jit3A_215, %sign3A_227 : i32
    %sign3A_229 = arith.extui %sign3A_228 : i1 to i32
    %sign3A_230 = arith.constant 0 : i32
    %sign3A_231 = arith.cmpi slt, %jit3A_215, %sign3A_230 : i32
    %sign3A_232 = arith.extui %sign3A_231 : i1 to i32
    %sign3A_233 = arith.subi %sign3A_229, %sign3A_232 : i32
    %ne3A_234 = vector.broadcast %sign3A_233 : i32 to vector<1x64xi32>
    %ne3A_235 = arith.cmpi ne, %sign3A_226, %ne3A_234 : vector<1x64xi32>
    %rem3A_236 = vector.broadcast %jit3A_215 : i32 to vector<1x64xi32>
    %rem3A_237 = arith.remsi %sub3A_214, %rem3A_236 : vector<1x64xi32>
    %ne3A_238 = arith.constant 0 : i32
    %ne3A_239 = vector.broadcast %ne3A_238 : i32 to vector<1x64xi32>
    %ne3A_240 = arith.cmpi ne, %rem3A_237, %ne3A_239 : vector<1x64xi32>
    %and3A_241 = arith.andi %ne3A_235, %ne3A_240 : vector<1x64xi1>
    %sub3A_242 = arith.constant 1 : i32
    %sub3A_243 = vector.broadcast %sub3A_242 : i32 to vector<1x64xi32>
    %sub3A_244 = arith.subi %div3A_217, %sub3A_243 : vector<1x64xi32>
    %select_n3A_245 = arith.select %and3A_241, %sub3A_244, %div3A_217 : vector<1x64xi1>, vector<1x64xi32>
    %mul3A = arith.constant 128 : i32
    %mul3A_246 = vector.broadcast %mul3A : i32 to vector<1x64xi32>
    %mul3A_247 = arith.muli %select_n3A_245, %mul3A_246 : vector<1x64xi32>
    %convert_element_type3A_248 = arith.sitofp %mul3A_247 : vector<1x64xi32> to vector<1x64xf32>
    %iota3A_249 = tpu.iota {dimensions = array<i32: 0>} : vector<64x64xi32>
    %iota3A_250 = tpu.iota {dimensions = array<i32: 1>} : vector<64x64xi32>
    %le3A_251 = arith.cmpi sle, %iota3A_249, %iota3A_250 : vector<64x64xi32>
    %convert_element_type3A_252 = arith.extui %le3A_251 : vector<64x64xi1> to vector<64x64xi32>
    %convert_element_type3A_253 = arith.sitofp %convert_element_type3A_252 : vector<64x64xi32> to vector<64x64xf32>
    %dot_general3A_254 = arith.constant dense<0.000000e+00> : vector<1x64xf32>
    %dot_general3A_255 = tpu.matmul %convert_element_type3A_248, %convert_element_type3A_253, %dot_general3A_254 {dimension_numbers = #tpu.dot_dimension_numbers<[1], [0], [0], [1], [0, 0, 1, 1], [], []>, precision = #tpu.contract_precision<fp32>, transpose_lhs_hint = false} : vector<1x64xf32>, vector<64x64xf32>, vector<1x64xf32> -> vector<1x64xf32>
    %sub3A_256 = arith.subf %dot_general3A_255, %convert_element_type3A_248 : vector<1x64xf32>
    %iota3A_257 = tpu.iota {dimensions = array<i32: 1>} : vector<64x2048xi32>
    %jit3A_258 = arith.constant 64 : i32
    %eq3A_259 = arith.constant 0 : i32
    %eq3A_260 = arith.cmpi eq, %jit3A_258, %eq3A_259 : i32
    %jit3A_261 = arith.constant 1 : i32
    %select_n3A_262 = arith.select %eq3A_260, %jit3A_261, %jit3A_258 : i32
    %rem3A_263 = vector.broadcast %select_n3A_262 : i32 to vector<64x2048xi32>
    %rem3A_264 = arith.remsi %iota3A_257, %rem3A_263 : vector<64x2048xi32>
    %ne3A_265 = arith.constant 0 : i32
    %ne3A_266 = vector.broadcast %ne3A_265 : i32 to vector<64x2048xi32>
    %ne3A_267 = arith.cmpi ne, %rem3A_264, %ne3A_266 : vector<64x2048xi32>
    %lt3A_268 = arith.constant 0 : i32
    %lt3A_269 = vector.broadcast %lt3A_268 : i32 to vector<64x2048xi32>
    %lt3A_270 = arith.cmpi slt, %rem3A_264, %lt3A_269 : vector<64x2048xi32>
    %lt3A_271 = arith.constant 0 : i32
    %lt3A_272 = arith.cmpi slt, %select_n3A_262, %lt3A_271 : i32
    %ne3A_273 = vector.broadcast %lt3A_272 : i1 to vector<64x2048xi1>
    %ne3A_274 = vector.broadcast %ne3A_273 : vector<64x2048xi1> to vector<64x2048xi1>
    %ne3A_275 = arith.xori %lt3A_270, %ne3A_274 : vector<64x2048xi1>
    %and3A_276 = arith.andi %ne3A_275, %ne3A_267 : vector<64x2048xi1>
    %add3A_277 = vector.broadcast %select_n3A_262 : i32 to vector<64x2048xi32>
    %add3A_278 = arith.addi %rem3A_264, %add3A_277 : vector<64x2048xi32>
    %select_n3A_279 = arith.select %and3A_276, %add3A_278, %rem3A_264 : vector<64x2048xi1>, vector<64x2048xi32>
    %iota3A_280 = tpu.iota {dimensions = array<i32: 0>} : vector<64x2048xi32>
    %eq3A_281 = arith.cmpi eq, %select_n3A_279, %iota3A_280 : vector<64x2048xi32>
    %convert_element_type3A_282 = arith.extui %eq3A_281 : vector<64x2048xi1> to vector<64x2048xi32>
    %convert_element_type3A_283 = arith.sitofp %convert_element_type3A_282 : vector<64x2048xi32> to vector<64x2048xf32>
    %dot_general3A_284 = arith.constant dense<0.000000e+00> : vector<1x2048xf32>
    %dot_general3A_285 = tpu.matmul %sub3A_256, %convert_element_type3A_283, %dot_general3A_284 {dimension_numbers = #tpu.dot_dimension_numbers<[1], [0], [0], [1], [0, 0, 1, 1], [], []>, precision = #tpu.contract_precision<fp32>, transpose_lhs_hint = false} : vector<1x64xf32>, vector<64x2048xf32>, vector<1x2048xf32> -> vector<1x2048xf32>
    %add3A_286 = vector.broadcast %dot_general3A_178 : vector<1x2048xf32> to vector<128x2048xf32>
    %add3A_287 = arith.addf %dot_general3A_63, %add3A_286 : vector<128x2048xf32>
    %sub3A_288 = arith.constant 1.000000e+00 : f32
    %sub3A_289 = vector.broadcast %sub3A_288 : f32 to vector<128x2048xf32>
    %sub3A_290 = arith.subf %add3A_287, %sub3A_289 : vector<128x2048xf32>
    %add3A_291 = vector.broadcast %dot_general3A_285 : vector<1x2048xf32> to vector<128x2048xf32>
    %add3A_292 = arith.addf %sub3A_290, %add3A_291 : vector<128x2048xf32>
    %iota3A_293 = tpu.iota {dimensions = array<i32: 0>} : vector<2048x32xi32>
    %jit3A_294 = arith.constant 64 : i32
    %div3A_295 = vector.broadcast %jit3A_294 : i32 to vector<2048x32xi32>
    %div3A_296 = arith.divsi %iota3A_293, %div3A_295 : vector<2048x32xi32>
    %sign3A_297 = arith.constant 0 : i32
    %sign3A_298 = vector.broadcast %sign3A_297 : i32 to vector<2048x32xi32>
    %sign3A_299 = arith.cmpi sgt, %iota3A_293, %sign3A_298 : vector<2048x32xi32>
    %sign3A_300 = arith.extui %sign3A_299 : vector<2048x32xi1> to vector<2048x32xi32>
    %sign3A_301 = arith.constant 0 : i32
    %sign3A_302 = vector.broadcast %sign3A_301 : i32 to vector<2048x32xi32>
    %sign3A_303 = arith.cmpi slt, %iota3A_293, %sign3A_302 : vector<2048x32xi32>
    %sign3A_304 = arith.extui %sign3A_303 : vector<2048x32xi1> to vector<2048x32xi32>
    %sign3A_305 = arith.subi %sign3A_300, %sign3A_304 : vector<2048x32xi32>
    %sign3A_306 = arith.constant 0 : i32
    %sign3A_307 = arith.cmpi sgt, %jit3A_294, %sign3A_306 : i32
    %sign3A_308 = arith.extui %sign3A_307 : i1 to i32
    %sign3A_309 = arith.constant 0 : i32
    %sign3A_310 = arith.cmpi slt, %jit3A_294, %sign3A_309 : i32
    %sign3A_311 = arith.extui %sign3A_310 : i1 to i32
    %sign3A_312 = arith.subi %sign3A_308, %sign3A_311 : i32
    %ne3A_313 = vector.broadcast %sign3A_312 : i32 to vector<2048x32xi32>
    %ne3A_314 = arith.cmpi ne, %sign3A_305, %ne3A_313 : vector<2048x32xi32>
    %rem3A_315 = vector.broadcast %jit3A_294 : i32 to vector<2048x32xi32>
    %rem3A_316 = arith.remsi %iota3A_293, %rem3A_315 : vector<2048x32xi32>
    %ne3A_317 = arith.constant 0 : i32
    %ne3A_318 = vector.broadcast %ne3A_317 : i32 to vector<2048x32xi32>
    %ne3A_319 = arith.cmpi ne, %rem3A_316, %ne3A_318 : vector<2048x32xi32>
    %and3A_320 = arith.andi %ne3A_314, %ne3A_319 : vector<2048x32xi1>
    %sub3A_321 = arith.constant 1 : i32
    %sub3A_322 = vector.broadcast %sub3A_321 : i32 to vector<2048x32xi32>
    %sub3A_323 = arith.subi %div3A_296, %sub3A_322 : vector<2048x32xi32>
    %select_n3A_324 = arith.select %and3A_320, %sub3A_323, %div3A_296 : vector<2048x32xi1>, vector<2048x32xi32>
    %iota3A_325 = tpu.iota {dimensions = array<i32: 1>} : vector<2048x32xi32>
    %eq3A_326 = arith.cmpi eq, %select_n3A_324, %iota3A_325 : vector<2048x32xi32>
    %convert_element_type3A_327 = arith.extui %eq3A_326 : vector<2048x32xi1> to vector<2048x32xi32>
    %convert_element_type3A_328 = arith.sitofp %convert_element_type3A_327 : vector<2048x32xi32> to vector<2048x32xf32>
    %mul3A_329 = arith.mulf %add3A_292, %convert_element_type3A_57 : vector<128x2048xf32>
    %dot_general3A_330 = arith.constant dense<0.000000e+00> : vector<128x32xf32>
    %dot_general3A_331 = tpu.matmul %mul3A_329, %convert_element_type3A_328, %dot_general3A_330 {dimension_numbers = #tpu.dot_dimension_numbers<[1], [0], [0], [1], [0, 0, 1, 1], [], []>, precision = #tpu.contract_precision<fp32>, transpose_lhs_hint = false} : vector<128x2048xf32>, vector<2048x32xf32>, vector<128x32xf32> -> vector<128x32xf32>
    %convert_element_type3A_332 = arith.fptosi %dot_general3A_331 : vector<128x32xf32> to vector<128x32xi32>
    %swap3A = arith.constant 0 : index
    %swap3A_333 = arith.constant 0 : index
    %swap3A_334 = vector.load %arg2[%swap3A, %swap3A_333] : memref<128x32xi32, #tpu.memory_space<vmem>>, vector<128x32xi32>
    tpu.vector_store %arg2[%swap3A, %swap3A_333], %convert_element_type3A_332 {strides = array<i32>} : memref<128x32xi32, #tpu.memory_space<vmem>>, vector<128x32xi32>,
    %iota3A_335 = tpu.iota {dimensions = array<i32: 0>} : vector<128x64xi32>
    %mul3A_336 = arith.constant 128 : i32
    %mul3A_337 = vector.broadcast %mul3A_336 : i32 to vector<128x64xi32>
    %mul3A_338 = arith.muli %iota3A_335, %mul3A_337 : vector<128x64xi32>
    %convert_element_type3A_339 = arith.sitofp %mul3A_338 : vector<128x64xi32> to vector<128x64xf32>
    %le3A_340 = vector.broadcast %dot_general3A_255 : vector<1x64xf32> to vector<128x64xf32>
    %le3A_341 = arith.cmpf ole, %le3A_340, %convert_element_type3A_339 : vector<128x64xf32>
    %convert_element_type3A_342 = arith.extui %le3A_341 : vector<128x64xi1> to vector<128x64xi32>
    %reduce_sum3A = arith.constant dense<0> : vector<128xi32>
    %reduce_sum3A_343 = vector.multi_reduction <add>, %convert_element_type3A_342, %reduce_sum3A [1] : vector<128x64xi32> to vector<128xi32>
    %min3A = arith.constant 63 : i32
    %min3A_344 = vector.broadcast %min3A : i32 to vector<128xi32>
    %min3A_345 = arith.minsi %reduce_sum3A_343, %min3A_344 : vector<128xi32>
    %reduce_sum3A_346 = vector.shape_cast %convert_element_type3A_248 : vector<1x64xf32> to vector<1x1x64xf32>
    %reduce_sum3A_347 = arith.constant dense<0.000000e+00> : vector<1xf32>
    %reduce_sum3A_348 = vector.multi_reduction <add>, %reduce_sum3A_346, %reduce_sum3A_347 [1, 2] : vector<1x1x64xf32> to vector<1xf32>
    %reduce_sum3A_349 = vector.shape_cast %reduce_sum3A_348 : vector<1xf32> to vector<1x1x1xf32>
    %reduce_sum3A_350 = vector.extract %reduce_sum3A_349[0, 0, 0] : f32 from vector<1x1x1xf32>
    %div3A_351 = arith.constant 1.280000e+02 : f32
    %div3A_352 = arith.divf %reduce_sum3A_350, %div3A_351 : f32
    %convert_element_type3A_353 = arith.fptosi %div3A_352 : f32 to i32
    %iota3A_354 = tpu.iota {dimensions = array<i32: 1>} : vector<1x128xi32>
    %iota3A_355 = vector.shape_cast %iota3A_354 : vector<1x128xi32> to vector<128xi32>
    %eq3A_356 = arith.constant 96 : i32
    %eq3A_357 = vector.broadcast %eq3A_356 : i32 to vector<128xi32>
    %eq3A_358 = arith.cmpi eq, %iota3A_355, %eq3A_357 : vector<128xi32>
    %broadcast_in_dim3A = vector.broadcast %convert_element_type3A_353 : i32 to vector<128xi32>
    %select_n3A_359 = arith.select %eq3A_358, %broadcast_in_dim3A, %min3A_345 : vector<128xi1>, vector<128xi32>
    %swap3A_360 = arith.constant 0 : index
    %swap3A_361 = vector.load %arg3[%swap3A_360] : memref<128xi32, #tpu.memory_space<vmem>>, vector<128xi32>
    tpu.vector_store %arg3[%swap3A_360], %select_n3A_359 {strides = array<i32>} : memref<128xi32, #tpu.memory_space<vmem>>, vector<128xi32>,
    return
  }
}

module attributes {stable_mosaic.version = 14 : i64} {
  func.func @_gate_shared_body(%arg0: i32, %arg1: memref<256x768xf32, #tpu.memory_space<vmem>>, %arg2: memref<64x768xf32, #tpu.memory_space<vmem>>, %arg3: memref<768x512xf32, #tpu.memory_space<vmem>>, %arg4: memref<1x512xf32, #tpu.memory_space<vmem>>, %arg5: memref<512x768xf32, #tpu.memory_space<vmem>>, %arg6: memref<1x768xf32, #tpu.memory_space<vmem>>, %arg7: memref<256xf32, #tpu.memory_space<vmem>>, %arg8: memref<256xi32, #tpu.memory_space<vmem>>, %arg9: memref<256xf32, #tpu.memory_space<vmem>>, %arg10: memref<256xi32, #tpu.memory_space<vmem>>, %arg11: memref<256x768xf32, #tpu.memory_space<vmem>>) attributes {dimension_semantics = [#tpu.dimension_semantics<arbitrary>], iteration_bounds = array<i64: 8>, scalar_prefetch = 0 : i64, scratch_operands = 0 : i64, tpu.core_type = #tpu.core_type<tc>, window_params = [{transform_indices = @transform_0, window_bounds = array<i64: 256, 768>}, {pipeline_mode = #tpu.pipeline_mode<synchronous>, transform_indices = @transform_1, window_bounds = array<i64: 64, 768>}, {pipeline_mode = #tpu.pipeline_mode<synchronous>, transform_indices = @transform_2, window_bounds = array<i64: 768, 512>}, {pipeline_mode = #tpu.pipeline_mode<synchronous>, transform_indices = @transform_3, window_bounds = array<i64: 1, 512>}, {pipeline_mode = #tpu.pipeline_mode<synchronous>, transform_indices = @transform_4, window_bounds = array<i64: 512, 768>}, {pipeline_mode = #tpu.pipeline_mode<synchronous>, transform_indices = @transform_5, window_bounds = array<i64: 1, 768>}, {transform_indices = @transform_6, window_bounds = array<i64: 256>}, {transform_indices = @transform_7, window_bounds = array<i64: 256>}, {transform_indices = @transform_8, window_bounds = array<i64: 256>}, {transform_indices = @transform_9, window_bounds = array<i64: 256>}, {transform_indices = @transform_10, window_bounds = array<i64: 256, 768>}]} {
    %get3A = arith.constant 0 : index
    %get3A_0 = arith.constant 0 : index
    %get3A_1 = vector.load %arg1[%get3A, %get3A_0] : memref<256x768xf32, #tpu.memory_space<vmem>>, vector<256x768xf32>
    %get3A_2 = arith.constant 0 : index
    %get3A_3 = arith.constant 0 : index
    %get3A_4 = vector.load %arg2[%get3A_2, %get3A_3] : memref<64x768xf32, #tpu.memory_space<vmem>>, vector<64x768xf32>
    %dot_general3A = arith.constant dense<0.000000e+00> : vector<256x64xf32>
    %dot_general3A_5 = tpu.matmul %get3A_1, %get3A_4, %dot_general3A {dimension_numbers = #tpu.dot_dimension_numbers<[1], [1], [0], [0], [0, 0, 1, 0], [], []>, transpose_lhs_hint = false} : vector<256x768xf32>, vector<64x768xf32>, vector<256x64xf32> -> vector<256x64xf32>
    %reduce_max3A = arith.constant dense<0xFF800000> : vector<256xf32>
    %reduce_max3A_6 = vector.multi_reduction <maximumf>, %dot_general3A_5, %reduce_max3A [1] : vector<256x64xf32> to vector<256xf32>
    %broadcast_in_dim3A = vector.shape_cast %reduce_max3A_6 : vector<256xf32> to vector<256x1xf32>
    %sub3A = vector.broadcast %broadcast_in_dim3A : vector<256x1xf32> to vector<256x64xf32>
    %sub3A_7 = arith.subf %dot_general3A_5, %sub3A : vector<256x64xf32>
    %exp3A = math.exp %sub3A_7 : vector<256x64xf32>
    %reduce_sum3A = arith.constant dense<0.000000e+00> : vector<256xf32>
    %reduce_sum3A_8 = vector.multi_reduction <add>, %exp3A, %reduce_sum3A [1] : vector<256x64xf32> to vector<256xf32>
    %broadcast_in_dim3A_9 = vector.shape_cast %reduce_sum3A_8 : vector<256xf32> to vector<256x1xf32>
    %div3A = vector.broadcast %broadcast_in_dim3A_9 : vector<256x1xf32> to vector<256x64xf32>
    %div3A_10 = arith.divf %exp3A, %div3A : vector<256x64xf32>
    %argmax3A = tpu.reduce_index %div3A_10 {axis = 1 : i32, kind = #tpu.reduction_kind<arg_max>} : vector<256x64xf32> -> vector<256xi32>
    %reduce_max3A_11 = arith.constant dense<0xFF800000> : vector<256xf32>
    %reduce_max3A_12 = vector.multi_reduction <maximumf>, %div3A_10, %reduce_max3A_11 [1] : vector<256x64xf32> to vector<256xf32>
    %iota3A = tpu.iota {dimensions = array<i32: 1>} : vector<1x64xi32>
    %iota3A_13 = vector.shape_cast %iota3A : vector<1x64xi32> to vector<64xi32>
    %broadcast_in_dim3A_14 = vector.shape_cast %iota3A_13 : vector<64xi32> to vector<1x64xi32>
    %broadcast_in_dim3A_15 = vector.shape_cast %argmax3A : vector<256xi32> to vector<256x1xi32>
    %eq3A = vector.broadcast %broadcast_in_dim3A_14 : vector<1x64xi32> to vector<256x64xi32>
    %eq3A_16 = vector.broadcast %broadcast_in_dim3A_15 : vector<256x1xi32> to vector<256x64xi32>
    %eq3A_17 = arith.cmpi eq, %eq3A, %eq3A_16 : vector<256x64xi32>
    %jit3A = arith.constant 0xFF800000 : f32
    %broadcast_in_dim3A_18 = vector.broadcast %jit3A : f32 to vector<256x64xf32>
    %select_n3A = arith.select %eq3A_17, %broadcast_in_dim3A_18, %div3A_10 : vector<256x64xi1>, vector<256x64xf32>
    %argmax3A_19 = tpu.reduce_index %select_n3A {axis = 1 : i32, kind = #tpu.reduction_kind<arg_max>} : vector<256x64xf32> -> vector<256xi32>
    %reduce_max3A_20 = arith.constant dense<0xFF800000> : vector<256xf32>
    %reduce_max3A_21 = vector.multi_reduction <maximumf>, %select_n3A, %reduce_max3A_20 [1] : vector<256x64xf32> to vector<256xf32>
    %swap3A = arith.constant 0 : index
    %swap3A_22 = vector.load %arg7[%swap3A] : memref<256xf32, #tpu.memory_space<vmem>>, vector<256xf32>
    tpu.vector_store %arg7[%swap3A], %reduce_max3A_12 {strides = array<i32>} : memref<256xf32, #tpu.memory_space<vmem>>, vector<256xf32>,
    %swap3A_23 = arith.constant 0 : index
    %swap3A_24 = vector.load %arg8[%swap3A_23] : memref<256xi32, #tpu.memory_space<vmem>>, vector<256xi32>
    tpu.vector_store %arg8[%swap3A_23], %argmax3A {strides = array<i32>} : memref<256xi32, #tpu.memory_space<vmem>>, vector<256xi32>,
    %swap3A_25 = arith.constant 0 : index
    %swap3A_26 = vector.load %arg9[%swap3A_25] : memref<256xf32, #tpu.memory_space<vmem>>, vector<256xf32>
    tpu.vector_store %arg9[%swap3A_25], %reduce_max3A_21 {strides = array<i32>} : memref<256xf32, #tpu.memory_space<vmem>>, vector<256xf32>,
    %swap3A_27 = arith.constant 0 : index
    %swap3A_28 = vector.load %arg10[%swap3A_27] : memref<256xi32, #tpu.memory_space<vmem>>, vector<256xi32>
    tpu.vector_store %arg10[%swap3A_27], %argmax3A_19 {strides = array<i32>} : memref<256xi32, #tpu.memory_space<vmem>>, vector<256xi32>,
    %get3A_29 = arith.constant 0 : index
    %get3A_30 = arith.constant 0 : index
    %get3A_31 = vector.load %arg3[%get3A_29, %get3A_30] : memref<768x512xf32, #tpu.memory_space<vmem>>, vector<768x512xf32>
    %dot_general3A_32 = arith.constant dense<0.000000e+00> : vector<256x512xf32>
    %dot_general3A_33 = tpu.matmul %get3A_1, %get3A_31, %dot_general3A_32 {dimension_numbers = #tpu.dot_dimension_numbers<[1], [0], [0], [1], [0, 0, 1, 1], [], []>, transpose_lhs_hint = false} : vector<256x768xf32>, vector<768x512xf32>, vector<256x512xf32> -> vector<256x512xf32>
    %get3A_34 = arith.constant 0 : index
    %get3A_35 = arith.constant 0 : index
    %get3A_36 = vector.load %arg4[%get3A_34, %get3A_35] : memref<1x512xf32, #tpu.memory_space<vmem>>, vector<1x512xf32>
    %add3A = vector.broadcast %get3A_36 : vector<1x512xf32> to vector<256x512xf32>
    %add3A_37 = arith.addf %dot_general3A_33, %add3A : vector<256x512xf32>
    %mul3A = arith.constant 5.000000e-01 : f32
    %mul3A_38 = vector.broadcast %mul3A : f32 to vector<256x512xf32>
    %mul3A_39 = arith.mulf %mul3A_38, %add3A_37 : vector<256x512xf32>
    %mul3A_40 = arith.constant 0.707106769 : f32
    %mul3A_41 = vector.broadcast %mul3A_40 : f32 to vector<256x512xf32>
    %mul3A_42 = arith.mulf %add3A_37, %mul3A_41 : vector<256x512xf32>
    %erf3A = math.erf %mul3A_42 : vector<256x512xf32>
    %add3A_43 = arith.constant 1.000000e+00 : f32
    %add3A_44 = vector.broadcast %add3A_43 : f32 to vector<256x512xf32>
    %add3A_45 = arith.addf %add3A_44, %erf3A : vector<256x512xf32>
    %mul3A_46 = arith.mulf %mul3A_39, %add3A_45 : vector<256x512xf32>
    %get3A_47 = arith.constant 0 : index
    %get3A_48 = arith.constant 0 : index
    %get3A_49 = vector.load %arg5[%get3A_47, %get3A_48] : memref<512x768xf32, #tpu.memory_space<vmem>>, vector<512x768xf32>
    %dot_general3A_50 = arith.constant dense<0.000000e+00> : vector<256x768xf32>
    %dot_general3A_51 = tpu.matmul %mul3A_46, %get3A_49, %dot_general3A_50 {dimension_numbers = #tpu.dot_dimension_numbers<[1], [0], [0], [1], [0, 0, 1, 1], [], []>, transpose_lhs_hint = false} : vector<256x512xf32>, vector<512x768xf32>, vector<256x768xf32> -> vector<256x768xf32>
    %get3A_52 = arith.constant 0 : index
    %get3A_53 = arith.constant 0 : index
    %get3A_54 = vector.load %arg6[%get3A_52, %get3A_53] : memref<1x768xf32, #tpu.memory_space<vmem>>, vector<1x768xf32>
    %add3A_55 = vector.broadcast %get3A_54 : vector<1x768xf32> to vector<256x768xf32>
    %add3A_56 = arith.addf %dot_general3A_51, %add3A_55 : vector<256x768xf32>
    %swap3A_57 = arith.constant 0 : index
    %swap3A_58 = arith.constant 0 : index
    %swap3A_59 = vector.load %arg11[%swap3A_57, %swap3A_58] : memref<256x768xf32, #tpu.memory_space<vmem>>, vector<256x768xf32>
    tpu.vector_store %arg11[%swap3A_57, %swap3A_58], %add3A_56 {strides = array<i32>} : memref<256x768xf32, #tpu.memory_space<vmem>>, vector<256x768xf32>,
    return
  }
  func.func @transform_0(%arg0: i32) -> (i32, i32) {
    %c0_i32 = arith.constant 0 : i32
    %c0_i32_0 = arith.constant 0 : i32
    return %arg0, %c0_i32 : i32, i32
  }
  func.func @transform_1(%arg0: i32) -> (i32, i32) {
    %c0_i32 = arith.constant 0 : i32
    %c0_i32_0 = arith.constant 0 : i32
    %c0_i32_1 = arith.constant 0 : i32
    return %c0_i32, %c0_i32_0 : i32, i32
  }
  func.func @transform_2(%arg0: i32) -> (i32, i32) {
    %c0_i32 = arith.constant 0 : i32
    %c0_i32_0 = arith.constant 0 : i32
    %c0_i32_1 = arith.constant 0 : i32
    return %c0_i32, %c0_i32_0 : i32, i32
  }
  func.func @transform_3(%arg0: i32) -> (i32, i32) {
    %c0_i32 = arith.constant 0 : i32
    %c0_i32_0 = arith.constant 0 : i32
    %c0_i32_1 = arith.constant 0 : i32
    return %c0_i32, %c0_i32_0 : i32, i32
  }
  func.func @transform_4(%arg0: i32) -> (i32, i32) {
    %c0_i32 = arith.constant 0 : i32
    %c0_i32_0 = arith.constant 0 : i32
    %c0_i32_1 = arith.constant 0 : i32
    return %c0_i32, %c0_i32_0 : i32, i32
  }
  func.func @transform_5(%arg0: i32) -> (i32, i32) {
    %c0_i32 = arith.constant 0 : i32
    %c0_i32_0 = arith.constant 0 : i32
    %c0_i32_1 = arith.constant 0 : i32
    return %c0_i32, %c0_i32_0 : i32, i32
  }
  func.func @transform_6(%arg0: i32) -> i32 {
    %c0_i32 = arith.constant 0 : i32
    return %arg0 : i32
  }
  func.func @transform_7(%arg0: i32) -> i32 {
    %c0_i32 = arith.constant 0 : i32
    return %arg0 : i32
  }
  func.func @transform_8(%arg0: i32) -> i32 {
    %c0_i32 = arith.constant 0 : i32
    return %arg0 : i32
  }
  func.func @transform_9(%arg0: i32) -> i32 {
    %c0_i32 = arith.constant 0 : i32
    return %arg0 : i32
  }
  func.func @transform_10(%arg0: i32) -> (i32, i32) {
    %c0_i32 = arith.constant 0 : i32
    %c0_i32_0 = arith.constant 0 : i32
    return %arg0, %c0_i32 : i32, i32
  }
}

module attributes {stable_mosaic.version = 14 : i64} {
  func.func @_ffn_body(%arg0: i32, %arg1: memref<128xi32, #tpu.memory_space<smem>>, %arg2: memref<128x768xf32, #tpu.memory_space<vmem>>, %arg3: memref<1x768x512xf32, #tpu.memory_space<vmem>>, %arg4: memref<1x1x512xf32, #tpu.memory_space<vmem>>, %arg5: memref<1x512x768xf32, #tpu.memory_space<vmem>>, %arg6: memref<1x1x768xf32, #tpu.memory_space<vmem>>, %arg7: memref<128x768xf32, #tpu.memory_space<vmem>>) attributes {dimension_semantics = [#tpu.dimension_semantics<arbitrary>], iteration_bounds = array<i64: 96>, scalar_prefetch = 1 : i64, scratch_operands = 0 : i64, tpu.core_type = #tpu.core_type<tc>, window_params = [{transform_indices = @transform_0, window_bounds = array<i64: 128, 768>}, {transform_indices = @transform_1, window_bounds = array<i64: 1, 768, 512>}, {transform_indices = @transform_2, window_bounds = array<i64: 1, 1, 512>}, {transform_indices = @transform_3, window_bounds = array<i64: 1, 512, 768>}, {transform_indices = @transform_4, window_bounds = array<i64: 1, 1, 768>}, {transform_indices = @transform_5, window_bounds = array<i64: 128, 768>}]} {
    %get3A = arith.constant 96 : index
    %get3A_0 = memref.load %arg1[%get3A] : memref<128xi32, #tpu.memory_space<smem>>
    %lt3A = arith.cmpi slt, %arg0, %get3A_0 : i32
    %convert_element_type3A = arith.extui %lt3A : i1 to i32
    %cond3A = arith.constant 0 : i32
    %cond3A_1 = arith.cmpi ne, %convert_element_type3A, %cond3A : i32
    scf.if %cond3A_1 {
      %get3A_2 = arith.constant 0 : index
      %get3A_3 = arith.constant 0 : index
      %get3A_4 = vector.load %arg2[%get3A_2, %get3A_3] : memref<128x768xf32, #tpu.memory_space<vmem>>, vector<128x768xf32>
      %get3A_5 = arith.constant 0 : index
      %get3A_6 = arith.constant 0 : index
      %get3A_7 = arith.constant 0 : index
      %get3A_8 = vector.load %arg3[%get3A_5, %get3A_6, %get3A_7] : memref<1x768x512xf32, #tpu.memory_space<vmem>>, vector<1x768x512xf32>
      %get3A_9 = vector.shape_cast %get3A_8 : vector<1x768x512xf32> to vector<768x512xf32>
      %dot_general3A = arith.constant dense<0.000000e+00> : vector<128x512xf32>
      %dot_general3A_10 = tpu.matmul %get3A_4, %get3A_9, %dot_general3A {dimension_numbers = #tpu.dot_dimension_numbers<[1], [0], [0], [1], [0, 0, 1, 1], [], []>, transpose_lhs_hint = false} : vector<128x768xf32>, vector<768x512xf32>, vector<128x512xf32> -> vector<128x512xf32>
      %get3A_11 = arith.constant 0 : index
      %get3A_12 = arith.constant 0 : index
      %get3A_13 = arith.constant 0 : index
      %get3A_14 = vector.load %arg4[%get3A_11, %get3A_12, %get3A_13] : memref<1x1x512xf32, #tpu.memory_space<vmem>>, vector<1x1x512xf32>
      %get3A_15 = vector.shape_cast %get3A_14 : vector<1x1x512xf32> to vector<1x512xf32>
      %add3A = vector.broadcast %get3A_15 : vector<1x512xf32> to vector<128x512xf32>
      %add3A_16 = arith.addf %dot_general3A_10, %add3A : vector<128x512xf32>
      %mul3A = arith.constant 5.000000e-01 : f32
      %mul3A_17 = vector.broadcast %mul3A : f32 to vector<128x512xf32>
      %mul3A_18 = arith.mulf %mul3A_17, %add3A_16 : vector<128x512xf32>
      %mul3A_19 = arith.constant 0.707106769 : f32
      %mul3A_20 = vector.broadcast %mul3A_19 : f32 to vector<128x512xf32>
      %mul3A_21 = arith.mulf %add3A_16, %mul3A_20 : vector<128x512xf32>
      %erf3A = math.erf %mul3A_21 : vector<128x512xf32>
      %add3A_22 = arith.constant 1.000000e+00 : f32
      %add3A_23 = vector.broadcast %add3A_22 : f32 to vector<128x512xf32>
      %add3A_24 = arith.addf %add3A_23, %erf3A : vector<128x512xf32>
      %mul3A_25 = arith.mulf %mul3A_18, %add3A_24 : vector<128x512xf32>
      %get3A_26 = arith.constant 0 : index
      %get3A_27 = arith.constant 0 : index
      %get3A_28 = arith.constant 0 : index
      %get3A_29 = vector.load %arg5[%get3A_26, %get3A_27, %get3A_28] : memref<1x512x768xf32, #tpu.memory_space<vmem>>, vector<1x512x768xf32>
      %get3A_30 = vector.shape_cast %get3A_29 : vector<1x512x768xf32> to vector<512x768xf32>
      %dot_general3A_31 = arith.constant dense<0.000000e+00> : vector<128x768xf32>
      %dot_general3A_32 = tpu.matmul %mul3A_25, %get3A_30, %dot_general3A_31 {dimension_numbers = #tpu.dot_dimension_numbers<[1], [0], [0], [1], [0, 0, 1, 1], [], []>, transpose_lhs_hint = false} : vector<128x512xf32>, vector<512x768xf32>, vector<128x768xf32> -> vector<128x768xf32>
      %get3A_33 = arith.constant 0 : index
      %get3A_34 = arith.constant 0 : index
      %get3A_35 = arith.constant 0 : index
      %get3A_36 = vector.load %arg6[%get3A_33, %get3A_34, %get3A_35] : memref<1x1x768xf32, #tpu.memory_space<vmem>>, vector<1x1x768xf32>
      %get3A_37 = vector.shape_cast %get3A_36 : vector<1x1x768xf32> to vector<1x768xf32>
      %add3A_38 = vector.broadcast %get3A_37 : vector<1x768xf32> to vector<128x768xf32>
      %add3A_39 = arith.addf %dot_general3A_32, %add3A_38 : vector<128x768xf32>
      %swap3A = arith.constant 0 : index
      %swap3A_40 = arith.constant 0 : index
      %swap3A_41 = vector.load %arg7[%swap3A, %swap3A_40] : memref<128x768xf32, #tpu.memory_space<vmem>>, vector<128x768xf32>
      tpu.vector_store %arg7[%swap3A, %swap3A_40], %add3A_39 {strides = array<i32>} : memref<128x768xf32, #tpu.memory_space<vmem>>, vector<128x768xf32>,
    } else {
    }
    return
  }
  func.func @transform_0(%arg0: i32, %arg1: memref<128xi32, #tpu.memory_space<smem>>) -> (i32, i32) {
    %get3A = arith.constant 96 : index
    %get3A_0 = memref.load %arg1[%get3A] : memref<128xi32, #tpu.memory_space<smem>>
    %lt3A = arith.cmpi slt, %arg0, %get3A_0 : i32
    %jit3A = arith.constant 0 : i32
    %select_n3A = arith.select %lt3A, %arg0, %jit3A : i32
    %c0_i32 = arith.constant 0 : i32
    %c0_i32_1 = arith.constant 0 : i32
    return %select_n3A, %c0_i32 : i32, i32
  }
  func.func @transform_1(%arg0: i32, %arg1: memref<128xi32, #tpu.memory_space<smem>>) -> (i32, i32, i32) {
    %get3A = arith.index_cast %arg0 : i32 to index
    %get3A_0 = memref.load %arg1[%get3A] : memref<128xi32, #tpu.memory_space<smem>>
    %c0_i32 = arith.constant 0 : i32
    %c0_i32_1 = arith.constant 0 : i32
    %c0_i32_2 = arith.constant 0 : i32
    return %get3A_0, %c0_i32, %c0_i32_1 : i32, i32, i32
  }
  func.func @transform_2(%arg0: i32, %arg1: memref<128xi32, #tpu.memory_space<smem>>) -> (i32, i32, i32) {
    %get3A = arith.index_cast %arg0 : i32 to index
    %get3A_0 = memref.load %arg1[%get3A] : memref<128xi32, #tpu.memory_space<smem>>
    %c0_i32 = arith.constant 0 : i32
    %c0_i32_1 = arith.constant 0 : i32
    %c0_i32_2 = arith.constant 0 : i32
    return %get3A_0, %c0_i32, %c0_i32_1 : i32, i32, i32
  }
  func.func @transform_3(%arg0: i32, %arg1: memref<128xi32, #tpu.memory_space<smem>>) -> (i32, i32, i32) {
    %get3A = arith.index_cast %arg0 : i32 to index
    %get3A_0 = memref.load %arg1[%get3A] : memref<128xi32, #tpu.memory_space<smem>>
    %c0_i32 = arith.constant 0 : i32
    %c0_i32_1 = arith.constant 0 : i32
    %c0_i32_2 = arith.constant 0 : i32
    return %get3A_0, %c0_i32, %c0_i32_1 : i32, i32, i32
  }
  func.func @transform_4(%arg0: i32, %arg1: memref<128xi32, #tpu.memory_space<smem>>) -> (i32, i32, i32) {
    %get3A = arith.index_cast %arg0 : i32 to index
    %get3A_0 = memref.load %arg1[%get3A] : memref<128xi32, #tpu.memory_space<smem>>
    %c0_i32 = arith.constant 0 : i32
    %c0_i32_1 = arith.constant 0 : i32
    %c0_i32_2 = arith.constant 0 : i32
    return %get3A_0, %c0_i32, %c0_i32_1 : i32, i32, i32
  }
  func.func @transform_5(%arg0: i32, %arg1: memref<128xi32, #tpu.memory_space<smem>>) -> (i32, i32) {
    %get3A = arith.constant 96 : index
    %get3A_0 = memref.load %arg1[%get3A] : memref<128xi32, #tpu.memory_space<smem>>
    %lt3A = arith.cmpi slt, %arg0, %get3A_0 : i32
    %jit3A = arith.constant 96 : i32
    %select_n3A = arith.select %lt3A, %arg0, %jit3A : i32
    %c0_i32 = arith.constant 0 : i32
    %c0_i32_1 = arith.constant 0 : i32
    return %select_n3A, %c0_i32 : i32, i32
  }
}

</mosaic_0001>

<sc_bundles>
// kernel: gather_offload_async_start.1
scs
__scs_entry_jumppad:
0x0: {  	(pc) =	sbr.rel $0x88, $3  }
0x1: {  	(tag) =	ssettag $0x0;
	lr =	simm.s32 $0x1  }
0x2: {  	[smem:$0x3F97] =	sst lr;
	_ =	strace $0xD0000000  }
0x3: {  	_ = 	snop  }
0x4: {  	_ = 	snop  }
0x5: {  	_ = 	snop  }
0x6: {  	_ = 	snop  }
0x7: {  	_ = 	snop  }
__scs_overlays_trampoline_lowered:
0x8: {  	[smem:$0x3FA6] =	sst s0  }
0x9: {  	[smem:$0x3FA7] =	sst s1  }
0xa: {  	[smem:$0x3FA8] =	sst s2  }
0xb: {  	[smem:$0x3FA9] =	sst s3  }
0xc: {  	[smem:$0x3FAA] =	sst s4  }
0xd: {  	[smem:$0x3FAB] =	sst s5  }
0xe: {  	[smem:$0x3FAC] =	sst s6  }
0xf: {  	[smem:$0x3FAD] =	sst s7  }
0x10: {  	[smem:$0x3FAE] =	sst s8  }
0x11: {  	[smem:$0x3FAF] =	sst s9;
	s0 =	simm.s32 @!p0 $0x0  }
0x12: {  	s1 =	sld [smem:$0x3F95];
	s0 =	simm.s32 @p0 $0x1  }
0x13: {  	[smem:$0x3FB0] =	sst s0;
	s0 =	simm.s32 @!p1 $0x0  }
0x14: {  	s2 =	sld [smem:$0x3F94];
	s0 =	simm.s32 @p1 $0x1  }
0x15: {  	[smem:$0x3FB1] =	sst s0;
	s0 =	simm.s32 @!p2 $0x0  }
0x16: {  	s3 =	sld [smem:$0x3FDB];
	s0 =	simm.s32 @p2 $0x1  }
0x17: {  	s4 =	simm.s32 $0x1BF5;
	[smem:$0x3FB3] =	sst s0  }
0x18: {  	s0 =	sld [smem:$0x3F96];
	_ =	swait.ge [sflag:s4], $0x0  }
0x19: {  	s7 =	sld [smem:$0x3F97]  }
0x1a: {  	s8 =	sadd.s32 $0xFFFFE003, lr  }
0x1b: {  	s9 =	sadd.s32 $0xFFFFFEF7, lr;
	s5 =	simm.s32 $0xFFFFFFFF;
	p2 =	slt.u32 s8, $0xFFFFF086  }
0x1c: {  	p1 =	slt.u32 s9, $0xF7A;
	s5 =	simm.s32 @!p2 $0x0  }
0x1d: {  	s5 =	simm.s32 @p1 $0x1;
	p0 =	seq.s32 s7, s2  }
0x1e: {  	s7 =	smul.u32 @!p0 $0xF7A, s2;
	p2 =	seq.s32 @!p0 s5, $0x0  }
0x1f: {  	s9 =	smul.u32 $0xF7A, s1;
	s8 =	simm.s32 @!p0 $0x1BF5;
	p2 =	por !p2, p0  }
0x20: {  	[sflag:s8] =	ssyncset.s32 @!p0 $0xFFFFF086;
	s6 =	sadd.s32 @!p0 s3, s7;
	s7 =	simm.s32 @!p0 $0x108  }
0x21: {  	s3 =	sadd.s32 s3, s9;
	s6 =	sadd.s32 @!p0 $0x88, s6;
	s7 =	simm.s32 @p2 $0x1082  }
0x22: {  	[simem:s7], [sflag:s8] =	dma.local @!p0 [hbm:s6], $0xF7A  }
0x23: {  	s9 =	sor.u32 $0xD0000000, s2;
	s6 =	simm.s32 $0x108;
	_ =	swait.ge @!p0 [sflag:s8], $0x0  }
0x24: {  	s3 =	sadd.s32 $0x88, s3;
	s6 =	simm.s32 @!p1 $0x1082;
	[sflag:s4] =	ssyncset.s32 $0xFFFFF086  }
0x25: {  	[simem:s6], [sflag:s4] =	dma.local [hbm:s3], $0xF7A  }
0x26: {  	[smem:$0x3F97] =	sst s1;
	(tag) =	ssettag s2;
	_ =	strace s9  }
0x27: {  	s1 =	sld [smem:$0x3FA7]  }
0x28: {  	s2 =	sld [smem:$0x3FA8]  }
0x29: {  	s4 =	sld [smem:$0x3FAA]  }
0x2a: {  	p0 =	seq.s32 s5, $0x0;
	s5 =	sld [smem:$0x3FAB]  }
0x2b: {  	s6 =	sld [smem:$0x3FAC]  }
0x2c: {  	s7 =	sld [smem:$0x3FAD]  }
0x2d: {  	s3 =	simm.s32 $0x108;
	s8 =	sld [smem:$0x3FAE]  }
0x2e: {  	s3 =	simm.s32 @!p0 $0x1082;
	s9 =	sld [smem:$0x3FAF]  }
0x2f: {  	lr =	sadd.s32 s0, s3;
	s0 =	sld [smem:$0x3FA6]  }
0x30: {  	s3 =	sld [smem:$0x3FA9]  }
0x31: {  	[smem:$0x3FB2] =	sst s10  }
0x32: {  	s10 =	sld [smem:$0x3FB0];
	_ =	sdelay $0x3  }
0x33: {  	p0 =	seq.s32 s10, $0x1;
	s10 =	sld [smem:$0x3FB2];
	_ =	sdelay $0x3  }
0x34: {  	[smem:$0x3FB2] =	sst s10  }
0x35: {  	s10 =	sld [smem:$0x3FB1];
	_ =	sdelay $0x3  }
0x36: {  	p1 =	seq.s32 s10, $0x1;
	s10 =	sld [smem:$0x3FB2];
	_ =	sdelay $0x3  }
0x37: {  	[smem:$0x3FB2] =	sst s10  }
0x38: {  	s10 =	sld [smem:$0x3FB3]  }
0x39: {  	_ = 	snop;
	(pc) =	sbr.ind lr, $3  }
0x3a: {  	_ = 	snop  }
0x3b: {  	_ = 	snop  }
0x3c: {  	p2 =	seq.s32 s10, $0x1;
	s10 =	sld [smem:$0x3FB2]  }
0x3d: {  	_ =	shalt  }
0x3e: {  	_ =	shalt  }
0x3f: {  	_ =	shalt  }
0x40: {  	_ =	shalt  }
0x41: {  	_ =	shalt  }
0x42: {  	_ =	shalt  }
0x43: {  	_ =	shalt  }
0x44: {  	_ =	shalt  }
0x45: {  	_ =	shalt  }
0x46: {  	_ =	shalt  }
0x47: {  	_ =	shalt  }
0x48: {  	_ =	shalt  }
0x49: {  	_ =	shalt  }
0x4a: {  	_ =	shalt  }
0x4b: {  	_ =	shalt  }
0x4c: {  	_ =	shalt  }
0x4d: {  	_ =	shalt  }
0x4e: {  	_ =	shalt  }
0x4f: {  	_ =	shalt  }
0x50: {  	_ =	shalt  }
0x51: {  	_ =	shalt  }
0x52: {  	_ =	shalt  }
0x53: {  	_ =	shalt  }
0x54: {  	_ =	shalt  }
0x55: {  	_ =	shalt  }
0x56: {  	_ =	shalt  }
0x57: {  	_ =	shalt  }
0x58: {  	_ =	shalt  }
0x59: {  	_ =	shalt  }
0x5a: {  	_ =	shalt  }
0x5b: {  	_ =	shalt  }
0x5c: {  	_ =	shalt  }
0x5d: {  	_ =	shalt  }
0x5e: {  	_ =	shalt  }
0x5f: {  	_ =	shalt  }
0x60: {  	_ =	shalt  }
0x61: {  	_ =	shalt  }
0x62: {  	_ =	shalt  }
0x63: {  	_ =	shalt  }
0x64: {  	_ =	shalt  }
0x65: {  	_ =	shalt  }
0x66: {  	_ =	shalt  }
0x67: {  	_ =	shalt  }
0x68: {  	_ =	shalt  }
0x69: {  	_ =	shalt  }
0x6a: {  	_ =	shalt  }
0x6b: {  	_ =	shalt  }
0x6c: {  	_ =	shalt  }
0x6d: {  	_ =	shalt  }
0x6e: {  	_ =	shalt  }
0x6f: {  	_ =	shalt  }
0x70: {  	_ =	shalt  }
0x71: {  	_ =	shalt  }
0x72: {  	_ =	shalt  }
0x73: {  	_ =	shalt  }
0x74: {  	_ =	shalt  }
0x75: {  	_ =	shalt  }
0x76: {  	_ =	shalt  }
0x77: {  	_ =	shalt  }
0x78: {  	_ =	shalt  }
0x79: {  	_ =	shalt  }
0x7a: {  	_ =	shalt  }
0x7b: {  	_ =	shalt  }
0x7c: {  	_ =	shalt  }
0x7d: {  	_ =	shalt  }
0x7e: {  	_ =	shalt  }
0x7f: {  	_ =	shalt  }
0x80: {  	_ =	shalt  }
0x81: {  	_ =	shalt  }
0x82: {  	_ =	shalt  }
0x83: {  	_ =	shalt  }
0x84: {  	_ =	shalt  }
0x85: {  	_ =	shalt  }
0x86: {  	_ =	shalt  }
0x87: {  	_ =	shalt  }
.Lfunc_end0:
.L_simem_size_0:
called_computation.1_lowered:
.L_overlay_start_0:
0x88: {  	s2 =	sld [smem:$0x3FD9]  }
0x89: {  	s3 =	sld [smem:$0x3FFE];
	_ =	sdelay $0x1  }
0x8a: {  	s1 =	srdreg.scid  }
0x8b: {  	s0 =	sand.u32 $0x1, s1  }
0x8c: {  	s16 =	sshll.u32 s0, $0xA;
	s2 =	sadd.s32 s3, s2  }
0x8d: {  	s2 =	sadd.s32 s2, s16  }
0x8e: {  	[smem:$0x3FBE] =	sst s2  }
0x8f: {  	_ = 	snop  }
0x90: {  	(tm) =	ssettm $0x1  }
0x91: {  	s17 =	sld [smem:$0x3FFB];
	_ =	sdelay $0x3  }
0x92: {  	_ =	strace s17  }
0x93: {  	s2 =	sld [smem:$0x3FFC];
	_ =	sdelay $0x3  }
0x94: {  	_ =	strace s2  }
0x95: {  	s2 =	sld [smem:$0x3FFD];
	_ =	sdelay $0x3  }
0x96: {  	_ =	strace s2  }
0x97: {  	_ =	strace $0x8FFFFFFF  }
0x98: {  	s18 =	sld [smem:$0x3FDB];
	_ =	sdelay $0x1  }
0x99: {  	s19 =	simm.s32 $_scs_section_size  }
0x9a: {  	s4 =	simm.s32 $_size__tile_overlayer_lowered;
	s5 =	simm.s32 $_tile_overlayer_lowered  }
0x9b: {  	s22 =	simm.s32 $0x1BFF;
	s21 =	sshll.u32 s5, $0x1;
	s2 =	sadd.s32 s19, s18  }
0x9c: {  	s6 =	simm.s32 $0x0;
	s20 =	sshll.u32 s4, $0x1;
	s4 =	sadd.s32 s21, s2  }
0x9d: {  	[timem:s6], [sflag:s22] =	dma.local [hbm:s4], s20  }
0x9e: {  	_ =	swait.ge [sflag:s22], s20  }
0x9f: {  	s3 =	ssub.s32 $0x0, s20;
	[sflag:s22] =	ssyncset.done $0x0  }
0xa0: {  	[sflag:s22] =	ssyncadd.s32 s3;
	_ =	sdelay $0x1  }
0xa1: {  	s23 =	simm.s32 $0x1B8B  }
0xa2: {  	_ =	swait.ge [sflag:s23], $0x1  }
0xa3: {  	[sflag:s23] =	ssyncset.done $0x0  }
0xa4: {  	s25 =	simm.s32 $0x1B8E;
	s24 =	sld [smem:$0x3FFE];
	[sflag:s23] =	ssyncadd.s32 $0xFFFFFFFF  }
0xa5: {  	s26 =	simm.s32 $execute0_lowered;
	[smem:$0x3FD2] =	sst s25  }
0xa6: {  	s4 =	sshll.u32 s26, $0x1;
	_ =	strace $0x80000049;
	[dreg:$0x1] =	wrdreg $0xFFFFFFFF  }
0xa7: {  	s28 =	simm.s32 $_size_execute0_lowered;
	s2 =	sadd.s32 s2, s4;
	[dreg:$0x0] =	wrdreg $0x0  }
0xa8: {  	s4 =	sshll.u32 s28, $0x1;
	[dreg:$0x2] =	wrdreg s2  }
0xa9: {  	[dreg:$0x3] =	wrdreg s4  }
0xaa: {  	[dreg:$0x4] =	wrdreg $0xC0  }
0xab: {  	_ =	task [dreg:s6], $0x5FFFF  }
0xac: {  	[dreg:$0x1] =	wrdreg $0xFFFFFFFF  }
0xad: {  	[dreg:$0x0] =	wrdreg $0x60  }
0xae: {  	[dreg:$0x2] =	wrdreg s24  }
0xaf: {  	[dreg:$0x3] =	wrdreg $0xA  }
0xb0: {  	_ =	task.clear_ibuf [dreg:s6], $0x4FFFF;
	_ =	strace $0x90000049  }
0xb1: {  	s29 =	simm.s32 $0xA;
	_ =	strace $0x8000004B  }
0xb2: {  	_ =	swait.ge [sflag:s29], $0x1  }
0xb3: {  	[sflag:s29] =	ssyncadd.s32 $0xFFFFFFFF  }
0xb4: {  	_ =	strace $0x9000004B  }
0xb5: {  	_ =	sfence  }
0xb6: {  	s30 =	sld [smem:$0x0];
	_ =	sdelay $0x2  }
0xb7: {  	s31 =	sshll.u32 s1, $0xD;
	s1 =	sshrl.u32 s1, $0x2  }
0xb8: {  	s3 =	sand.u32 $0x4000, s31;
	s1 =	sadd.s32 s1, s30  }
0xb9: {  	s0 =	sor.u32 s3, s0;
	s1 =	sshll.u32 s1, $0x11  }
0xba: {  	s0 =	sor.u32 s1, s0  }
0xbb: {  	s0 =	sadd.s32 $0x8F2B, s0  }
0xbc: {  	[sflag:s0] =	ssyncadd.remote.s32 $0x1  }
0xbd: {  	_ =	sfence.sel $0xFFFF  }
0xbe: {  	[dreg:$0x0] =	wrdreg $0xFFFFFFFF;
	(pc) =	sbr.abs _section_cstart, $3  }
0xbf: {  	[dreg:$0x1] =	wrdreg $0xFFFFFFFF  }
0xc0: {  	_ =	task.clear_ibuf [dreg:s6], $0x2FFFF;
	_ =	strace $0x9FFFFFFF  }
0xc1: {  	(tm) =	ssettm $0x7FFFFFFF  }
tec
execute0_lowered:
.L_overlay_start_1:
0x0: {  	(tag) =	ssettag $0x1  }
0x1: {  	s7 =	rddreg [dreg:$0x0]  }
0x2: {  	s0 =	rddreg [dreg:$0x1];
	_ =	strace $0x8000004A  }
0x3: {  	s1 =	srdreg.scid;
	s4 =	simm.s32 $0x1;
	s9 =	simm.s32 $0x3  }
0x4: {  	s12 =	simm.s32 $0x0;
	s10 =	simm.s32 $0x0;
	s5 =	sshll.u32 s1, $0x4  }
.Ltmp0:
0x5: {  	s1 =	stileid.u32;
	s5 =	sand.u32 $0x10, s5;
	(pc) =	sbr.rel .LBB2_1-.Ltmp0, $4  }
0x6: {  	s2 =	sadd.s32 $0x124800, s7;
	s3 =	sadd.s32 $0x124600, s7;
	s6 =	sor.u32 s1, s5  }
0x7: {  	[sflag:s4] =	ssyncpa.u1 $0x0;
	s5 =	simm.s32 $0x2;
	s6 =	sshll.u32 s6, $0x6  }
0x8: {  	s7 =	sadd.s32 $0x4200, s7;
	[sflag:s5] =	ssyncpa.u1 $0x0;
	s8 =	sadd.s32 $0x40, s6  }
0x9: {  	vm0 =	vmmov $0xff;
	vm1 =	vcmask $0x3F20;
	[sflag:s9] =	ssyncpa.u1 $0x0;
	s9 =	simm.s32 $0x40;
	s11 =	smov.u32 s6  }
.LBB2_11:
0xa: {  	p0 =	seq.s32 s10, $0x2  }
.Ltmp1:
0xb: {  	_ = 	snop;
	(pc) =	sbr.rel @p0 .LBB2_13-.Ltmp1, $1  }
0xc: {  	_ =	sdelay $0x3  }
.LBB2_12:
0xd: {  	s12 =	sadd.s32 $0x40, s11  }
0xe: {  	s13 =	smov.u32 s6;
	p0 =	slt.s32 s12, s8  }
0xf: {  	s13 =	smov.u32 @p0 s12  }
0x10: {  	s10 =	sadd.s32 $0x1, s10;
	s12 =	smov.u32 s11;
	s11 =	smov.u32 s13  }
.LBB2_1:
0x11: {  	p0 =	sne.s32 s10, $0x0  }
.Ltmp2:
0x12: {  	_ = 	snop;
	(pc) =	sbr.rel @!p0 .LBB2_2-.Ltmp2, $1  }
0x13: {  	_ =	sdelay $0x3  }
0x14: {  	s13 =	sand.u32 $0x1, s10  }
0x15: {  	p0 =	seq.s32 s13, $0x0  }
.Ltmp3:
0x16: {  	_ = 	snop;
	(pc) =	sbr.rel @p0 .LBB2_11-.Ltmp3, $1  }
0x17: {  	_ =	sdelay $0x3  }
0x18: {  	_ =	swait.ge [sflag:s5], $0x40  }
0x19: {  	[sflag:s5] =	ssyncset.done $0x0  }
0x1a: {  	s13 =	simm.s32 $0x0;
	s14 =	simm.s32 $0x80;
	[sflag:s5] =	ssyncadd.s32 $0xFFFFFFC0  }
.LBB2_5:
0x1b: {  	s15 =	sshll.u32 s13, $0x4  }
0x1c: {  	s15 =	sand.u32 $0x3FFFFFF0, s15  }
0x1d: {  	v0 =	vld.msk [tilespmem:s15+$0x40 ss:$0x1], $0xffff;
	_ =	sdelay $0x4  }
0x1e: {  	vm2 =	vgt.s32 v0, $0x0  }
0x1f: {  	v0 =	vnsel vm2, $0x0, v0  }
0x20: {  	v0 =	vmin.u32 v0, $0x307F  }
0x21: {  	v1 =	vshrl.u32 v0, $0x3  }
0x22: {  	v0 =	vshll.u32 v0, $0x7;
	v1 =	vmul.u32 $0x1800, v1  }
0x23: {  	v0 =	vand.u32 $0x380, v0  }
0x24: {  	v0 =	vor.u32 v0, v1  }
0x25: {  	v0 =	vshrl.u32 v0, $0x3;
	_ =	sdelay $0x2  }
0x26: {  	s16 =	sadd.s32 $0xFFFFE800, s14  }
0x27: {  	s31 =	sadd.s32 $0xD800, s16;
	s16 =	sadd.s32 $0xF000, s16;
	s15 =	simm.s32 $0xFFFFB000  }
0x28: {  	v1 =	vadd.s32 $0x80, v0;
	[tilespmem:s31], [sflag:$0x1] =	stream.indirect_vreg.gather [hbm:s2], $0x80, v0, vm0, $0x38;
	[tilespmem:$0x18080] =	vst v63  }
.LBB2_6:
0x29: {  	[tilespmem:s16], [sflag:$0x1] =	stream.indirect_vreg.gather [hbm:s2], $0x80, v0, vm1, $0x38;
	[tilespmem:$0x18080] =	vst v63  }
0x2a: {  	v0 =	vmov v1;
	p0 =	sne.s32 s15, $0xFFFFF000  }
.Ltmp4:
0x2b: {  	s16 =	sshra.s32 s15, $0x2;
	(pc) =	sbr.rel @p0 .LBB2_6-.Ltmp4, $4  }
0x2c: {  	s15 =	sadd.s32 $0x1000, s15;
	s16 =	sadd.s32 s16, s14  }
0x2d: {  	s17 =	sadd.s32 $0xD800, s16  }
0x2e: {  	[tilespmem:s17], [sflag:$0x1] =	stream.indirect_vreg.gather [hbm:s2], $0x80, v1, vm0, $0x38;
	[tilespmem:$0x18080] =	vst v63  }
0x2f: {  	s16 =	sadd.s32 $0xF000, s16;
	v1 =	vadd.s32 $0x80, v1  }
0x30: {  	s13 =	sadd.s32 $0x1, s13  }
0x31: {  	p0 =	sne.s32 s13, $0x4  }
.Ltmp5:
0x32: {  	_ = 	snop;
	(pc) =	sbr.rel @p0 .LBB2_5-.Ltmp5, $3  }
0x33: {  	_ =	sdelay $0x1  }
0x34: {  	[tilespmem:s16], [sflag:$0x1] =	stream.indirect_vreg.gather [hbm:s2], $0x80, v0, vm1, $0x38;
	[tilespmem:$0x18080] =	vst v63  }
0x35: {  	s14 =	sadd.s32 $0x3000, s14  }
0x36: {  	s13 =	sshrl.u32 s12, $0x3  }
0x37: {  	s13 =	smul.u32 $0x300, s13  }
0x38: {  	_ =	swait.ge [sflag:s4], $0xC000;
	s31 =	sshll.u32 s12, $0x4  }
0x39: {  	s14 =	simm.s32 $0x300;
	s12 =	sand.u32 $0x70, s31;
	s13 =	sadd.s32 s13, s7  }
0x3a: {  	s15 =	simm.s32 $0xD880;
	[sflag:s4] =	ssyncset.done $0x0;
	s12 =	sadd.s32 s12, s13  }
0x3b: {  	[sflag:s4] =	ssyncadd.s32 $0xFFFF4000;
	s13 =	simm.s32 $0xC080;
	s16 =	sadd.s32 $0x0, s12  }
.LBB2_9:
0x3c: {  	[hbm:s16] =	stream.linear.scatter [tilespmem:s13], [sflag:$0x3], $0x1800, $0x38;
	[tilespmem:$0x18080] =	vst v63  }
0x3d: {  	s16 =	smov.u32 s14;
	s13 =	smov.u32 s15;
	p0 =	sne.s32 s14, $0x1500  }
.Ltmp6:
0x3e: {  	s14 =	sadd.s32 $0x300, s14;
	(pc) =	sbr.rel @p0 .LBB2_9-.Ltmp6, $2  }
0x3f: {  	_ =	sdelay $0x2  }
0x40: {  	s15 =	sadd.s32 $0x1800, s15;
	s16 =	sadd.s32 s16, s12  }
.Ltmp7:
0x41: {  	(pc) =	sbr.rel .LBB2_11-.Ltmp7, $2  }
0x42: {  	_ =	sdelay $0x2  }
0x43: {  	[hbm:s16] =	stream.linear.scatter [tilespmem:s13], [sflag:$0x3], $0x1800, $0x38;
	[tilespmem:$0x18080] =	vst v63  }
.LBB2_2:
.Ltmp8:
0x44: {  	(pc) =	sbr.rel .LBB2_12-.Ltmp8, $4  }
0x45: {  	_ = 	snop  }
0x46: {  	s12 =	sshrl.u32 s11, $0x3  }
0x47: {  	s13 =	sand.u32 $0x7, s11;
	s12 =	sadd.s32 s3, s12  }
0x48: {  	[tilespmem:s9], [sflag:$0x2] =	stream.linear.gather [hbm4b:s12+s13], $0x40, $0x38;
	[tilespmem:$0x18080] =	vst v63  }
.LBB2_13:
0x49: {  	s2 =	simm.s32 $0x3  }
0x4a: {  	_ =	swait.ge [sflag:s2], $0xC000  }
0x4b: {  	[sflag:s2] =	ssyncset.done $0x0  }
0x4c: {  	[sflag:s2] =	ssyncadd.s32 $0xFFFF4000  }
0x4d: {  	_ =	sfence.sel $0x180000  }
0x4e: {  	s3 =	simm.s32 $0x2;
	[bflag:$0x0] =	sbarrier.arrive $0xFFFF  }
0x4f: {  	[sflag:s3] =	ssyncpa.u1 $0x1  }
0x50: {  	s31 =	simm.s32 $0x1;
	[sflag:s2] =	ssyncpa.u1 $0x1  }
0x51: {  	[sflag:s31] =	ssyncpa.u1 $0x1  }
0x52: {  	p0 =	sne.s32 s1, $0x0;
	_ =	strace $0x9000004A  }
0x53: {  	s0 =	sadd.s32 @!p0 $0x100000, s0;
	[bflag:$0x2] =	sbarrier.arrive $0xFFFF  }
0x54: {  	[sflag:s0] =	ssyncadd.tile.s32 @!p0 $0x1;
	_ =	shalt  }
.Lfunc_end2:
_tile_overlayer_lowered:
.L_overlay_start_2:
0x55: {  	(tag) =	ssettag $0x2  }
0x56: {  	s0 =	rddreg [dreg:$0x0];
	s2 =	stileid.u32  }
0x57: {  	s1 =	rddreg [dreg:$0x1];
	p0 =	sne.s32 s2, $0x0  }
0x58: {  	s3 =	rddreg [dreg:$0x2];
	[bflag:$0x3] =	sbarrier.arrive $0xFFFF;
	s2 =	simm.s32 @!p0 $0x1C01  }
0x59: {  	[timem:s3], [sflag:s2] =	dma.local @!p0 [hbm:s0], s1  }
0x5a: {  	s0 =	simm.s32 @!p0 $0x1  }
0x5b: {  	_ =	swait.ge @!p0 [sflag:s0], s1  }
0x5c: {  	s1 =	ssub.s32 @!p0 $0x0, s1;
	[sflag:s0] =	ssyncset.done @!p0 $0x0  }
0x5d: {  	[sflag:s0] =	ssyncadd.s32 @!p0 s1  }
0x5e: {  	[bflag:$0x3] =	sbarrier.arrive $0xFFFF  }
0x5f: {  	_ =	shalt  }

// kernel: gather_offload_async_start
scs
__scs_entry_jumppad:
0x0: {  	(pc) =	sbr.rel $0x88, $3  }
0x1: {  	(tag) =	ssettag $0x0;
	lr =	simm.s32 $0x1  }
0x2: {  	[smem:$0x3F97] =	sst lr;
	_ =	strace $0xD0000000  }
0x3: {  	_ = 	snop  }
0x4: {  	_ = 	snop  }
0x5: {  	_ = 	snop  }
0x6: {  	_ = 	snop  }
0x7: {  	_ = 	snop  }
__scs_overlays_trampoline_lowered:
0x8: {  	[smem:$0x3FA6] =	sst s0  }
0x9: {  	[smem:$0x3FA7] =	sst s1  }
0xa: {  	[smem:$0x3FA8] =	sst s2  }
0xb: {  	[smem:$0x3FA9] =	sst s3  }
0xc: {  	[smem:$0x3FAA] =	sst s4  }
0xd: {  	[smem:$0x3FAB] =	sst s5  }
0xe: {  	[smem:$0x3FAC] =	sst s6  }
0xf: {  	[smem:$0x3FAD] =	sst s7  }
0x10: {  	[smem:$0x3FAE] =	sst s8  }
0x11: {  	[smem:$0x3FAF] =	sst s9;
	s0 =	simm.s32 @!p0 $0x0  }
0x12: {  	s1 =	sld [smem:$0x3F95];
	s0 =	simm.s32 @p0 $0x1  }
0x13: {  	[smem:$0x3FB0] =	sst s0;
	s0 =	simm.s32 @!p1 $0x0  }
0x14: {  	s2 =	sld [smem:$0x3F94];
	s0 =	simm.s32 @p1 $0x1  }
0x15: {  	[smem:$0x3FB1] =	sst s0;
	s0 =	simm.s32 @!p2 $0x0  }
0x16: {  	s3 =	sld [smem:$0x3FDB];
	s0 =	simm.s32 @p2 $0x1  }
0x17: {  	s4 =	simm.s32 $0x1BF5;
	[smem:$0x3FB3] =	sst s0  }
0x18: {  	s0 =	sld [smem:$0x3F96];
	_ =	swait.ge [sflag:s4], $0x0  }
0x19: {  	s7 =	sld [smem:$0x3F97]  }
0x1a: {  	s8 =	sadd.s32 $0xFFFFE003, lr  }
0x1b: {  	s9 =	sadd.s32 $0xFFFFFEF7, lr;
	s5 =	simm.s32 $0xFFFFFFFF;
	p2 =	slt.u32 s8, $0xFFFFF086  }
0x1c: {  	p1 =	slt.u32 s9, $0xF7A;
	s5 =	simm.s32 @!p2 $0x0  }
0x1d: {  	s5 =	simm.s32 @p1 $0x1;
	p0 =	seq.s32 s7, s2  }
0x1e: {  	s7 =	smul.u32 @!p0 $0xF7A, s2;
	p2 =	seq.s32 @!p0 s5, $0x0  }
0x1f: {  	s9 =	smul.u32 $0xF7A, s1;
	s8 =	simm.s32 @!p0 $0x1BF5;
	p2 =	por !p2, p0  }
0x20: {  	[sflag:s8] =	ssyncset.s32 @!p0 $0xFFFFF086;
	s6 =	sadd.s32 @!p0 s3, s7;
	s7 =	simm.s32 @!p0 $0x108  }
0x21: {  	s3 =	sadd.s32 s3, s9;
	s6 =	sadd.s32 @!p0 $0x88, s6;
	s7 =	simm.s32 @p2 $0x1082  }
0x22: {  	[simem:s7], [sflag:s8] =	dma.local @!p0 [hbm:s6], $0xF7A  }
0x23: {  	s9 =	sor.u32 $0xD0000000, s2;
	s6 =	simm.s32 $0x108;
	_ =	swait.ge @!p0 [sflag:s8], $0x0  }
0x24: {  	s3 =	sadd.s32 $0x88, s3;
	s6 =	simm.s32 @!p1 $0x1082;
	[sflag:s4] =	ssyncset.s32 $0xFFFFF086  }
0x25: {  	[simem:s6], [sflag:s4] =	dma.local [hbm:s3], $0xF7A  }
0x26: {  	[smem:$0x3F97] =	sst s1;
	(tag) =	ssettag s2;
	_ =	strace s9  }
0x27: {  	s1 =	sld [smem:$0x3FA7]  }
0x28: {  	s2 =	sld [smem:$0x3FA8]  }
0x29: {  	s4 =	sld [smem:$0x3FAA]  }
0x2a: {  	p0 =	seq.s32 s5, $0x0;
	s5 =	sld [smem:$0x3FAB]  }
0x2b: {  	s6 =	sld [smem:$0x3FAC]  }
0x2c: {  	s7 =	sld [smem:$0x3FAD]  }
0x2d: {  	s3 =	simm.s32 $0x108;
	s8 =	sld [smem:$0x3FAE]  }
0x2e: {  	s3 =	simm.s32 @!p0 $0x1082;
	s9 =	sld [smem:$0x3FAF]  }
0x2f: {  	lr =	sadd.s32 s0, s3;
	s0 =	sld [smem:$0x3FA6]  }
0x30: {  	s3 =	sld [smem:$0x3FA9]  }
0x31: {  	[smem:$0x3FB2] =	sst s10  }
0x32: {  	s10 =	sld [smem:$0x3FB0];
	_ =	sdelay $0x3  }
0x33: {  	p0 =	seq.s32 s10, $0x1;
	s10 =	sld [smem:$0x3FB2];
	_ =	sdelay $0x3  }
0x34: {  	[smem:$0x3FB2] =	sst s10  }
0x35: {  	s10 =	sld [smem:$0x3FB1];
	_ =	sdelay $0x3  }
0x36: {  	p1 =	seq.s32 s10, $0x1;
	s10 =	sld [smem:$0x3FB2];
	_ =	sdelay $0x3  }
0x37: {  	[smem:$0x3FB2] =	sst s10  }
0x38: {  	s10 =	sld [smem:$0x3FB3]  }
0x39: {  	_ = 	snop;
	(pc) =	sbr.ind lr, $3  }
0x3a: {  	_ = 	snop  }
0x3b: {  	_ = 	snop  }
0x3c: {  	p2 =	seq.s32 s10, $0x1;
	s10 =	sld [smem:$0x3FB2]  }
0x3d: {  	_ =	shalt  }
0x3e: {  	_ =	shalt  }
0x3f: {  	_ =	shalt  }
0x40: {  	_ =	shalt  }
0x41: {  	_ =	shalt  }
0x42: {  	_ =	shalt  }
0x43: {  	_ =	shalt  }
0x44: {  	_ =	shalt  }
0x45: {  	_ =	shalt  }
0x46: {  	_ =	shalt  }
0x47: {  	_ =	shalt  }
0x48: {  	_ =	shalt  }
0x49: {  	_ =	shalt  }
0x4a: {  	_ =	shalt  }
0x4b: {  	_ =	shalt  }
0x4c: {  	_ =	shalt  }
0x4d: {  	_ =	shalt  }
0x4e: {  	_ =	shalt  }
0x4f: {  	_ =	shalt  }
0x50: {  	_ =	shalt  }
0x51: {  	_ =	shalt  }
0x52: {  	_ =	shalt  }
0x53: {  	_ =	shalt  }
0x54: {  	_ =	shalt  }
0x55: {  	_ =	shalt  }
0x56: {  	_ =	shalt  }
0x57: {  	_ =	shalt  }
0x58: {  	_ =	shalt  }
0x59: {  	_ =	shalt  }
0x5a: {  	_ =	shalt  }
0x5b: {  	_ =	shalt  }
0x5c: {  	_ =	shalt  }
0x5d: {  	_ =	shalt  }
0x5e: {  	_ =	shalt  }
0x5f: {  	_ =	shalt  }
0x60: {  	_ =	shalt  }
0x61: {  	_ =	shalt  }
0x62: {  	_ =	shalt  }
0x63: {  	_ =	shalt  }
0x64: {  	_ =	shalt  }
0x65: {  	_ =	shalt  }
0x66: {  	_ =	shalt  }
0x67: {  	_ =	shalt  }
0x68: {  	_ =	shalt  }
0x69: {  	_ =	shalt  }
0x6a: {  	_ =	shalt  }
0x6b: {  	_ =	shalt  }
0x6c: {  	_ =	shalt  }
0x6d: {  	_ =	shalt  }
0x6e: {  	_ =	shalt  }
0x6f: {  	_ =	shalt  }
0x70: {  	_ =	shalt  }
0x71: {  	_ =	shalt  }
0x72: {  	_ =	shalt  }
0x73: {  	_ =	shalt  }
0x74: {  	_ =	shalt  }
0x75: {  	_ =	shalt  }
0x76: {  	_ =	shalt  }
0x77: {  	_ =	shalt  }
0x78: {  	_ =	shalt  }
0x79: {  	_ =	shalt  }
0x7a: {  	_ =	shalt  }
0x7b: {  	_ =	shalt  }
0x7c: {  	_ =	shalt  }
0x7d: {  	_ =	shalt  }
0x7e: {  	_ =	shalt  }
0x7f: {  	_ =	shalt  }
0x80: {  	_ =	shalt  }
0x81: {  	_ =	shalt  }
0x82: {  	_ =	shalt  }
0x83: {  	_ =	shalt  }
0x84: {  	_ =	shalt  }
0x85: {  	_ =	shalt  }
0x86: {  	_ =	shalt  }
0x87: {  	_ =	shalt  }
.Lfunc_end0:
.L_simem_size_0:
called_computation_lowered:
.L_overlay_start_0:
0x88: {  	s2 =	sld [smem:$0x3FD9]  }
0x89: {  	s3 =	sld [smem:$0x3FFE];
	_ =	sdelay $0x1  }
0x8a: {  	s1 =	srdreg.scid  }
0x8b: {  	s0 =	sand.u32 $0x1, s1  }
0x8c: {  	s17 =	sshll.u32 s0, $0xA;
	s2 =	sadd.s32 s3, s2  }
0x8d: {  	s2 =	sadd.s32 s2, s17  }
0x8e: {  	[smem:$0x3FBE] =	sst s2  }
0x8f: {  	_ = 	snop  }
0x90: {  	(tm) =	ssettm $0x1  }
0x91: {  	s18 =	sld [smem:$0x3FFB];
	_ =	sdelay $0x3  }
0x92: {  	_ =	strace s18  }
0x93: {  	s2 =	sld [smem:$0x3FFC];
	_ =	sdelay $0x3  }
0x94: {  	_ =	strace s2  }
0x95: {  	s2 =	sld [smem:$0x3FFD];
	_ =	sdelay $0x3  }
0x96: {  	_ =	strace s2  }
0x97: {  	_ =	strace $0x8FFFFFFF  }
0x98: {  	s19 =	sld [smem:$0x3FDB];
	_ =	sdelay $0x1  }
0x99: {  	s20 =	simm.s32 $_scs_section_size  }
0x9a: {  	s4 =	simm.s32 $_size__tile_overlayer_lowered;
	s5 =	simm.s32 $_tile_overlayer_lowered  }
0x9b: {  	s6 =	simm.s32 $0x1BFF;
	s21 =	sshll.u32 s5, $0x1;
	s3 =	sadd.s32 s20, s19  }
0x9c: {  	s22 =	simm.s32 $0x0;
	s4 =	sshll.u32 s4, $0x1;
	s5 =	sadd.s32 s21, s3  }
0x9d: {  	[timem:s22], [sflag:s6] =	dma.local [hbm:s5], s4  }
0x9e: {  	_ =	swait.ge [sflag:s6], s4  }
0x9f: {  	s4 =	ssub.s32 $0x0, s4;
	[sflag:s6] =	ssyncset.done $0x0  }
0xa0: {  	[sflag:s6] =	ssyncadd.s32 s4;
	_ =	sdelay $0x1  }
0xa1: {  	s23 =	simm.s32 $0x1B8B  }
0xa2: {  	_ =	swait.ge [sflag:s23], $0x1  }
0xa3: {  	[sflag:s23] =	ssyncset.done $0x0  }
0xa4: {  	[sflag:s23] =	ssyncadd.s32 $0xFFFFFFFF  }
0xa5: {  	s4 =	sld [smem:$0x0]  }
0xa6: {  	s5 =	sand.u32 $0xFFFFFFFE, s1  }
0xa7: {  	p0 =	sne.s32 s1, s5  }
0xa8: {  	s5 =	sshll.u32 @p0 s5, $0xE  }
0xa9: {  	s5 =	sadd.s32 @p0 $0x11B8D, s5;
	s6 =	sshll.u32 @p0 s4, $0x11  }
0xaa: {  	s5 =	sor.u32 @p0 s6, s5  }
0xab: {  	[sflag:s5] =	ssyncadd.remote.s32 @p0 $0x1;
	_ =	sdelay $0x1  }
0xac: {  	s5 =	simm.s32 @p0 $0x1B8D  }
0xad: {  	_ =	swait.eq @p0 [sflag:s5], $0x1  }
0xae: {  	[sflag:s5] =	ssyncadd.s32 @p0 $0xFFFFFFFF  }
0xaf: {  	s6 =	sshll.u32 @!p0 s1, $0xE  }
0xb0: {  	s6 =	sor.u32 @!p0 $0x4000, s6;
	s5 =	simm.s32 @!p0 $0x1B8D  }
0xb1: {  	s4 =	sshll.u32 @!p0 s4, $0x11;
	s6 =	sadd.s32 @!p0 $0x11B8D, s6;
	_ =	swait.eq @!p0 [sflag:s5], $0x1  }
0xb2: {  	s4 =	sor.u32 @!p0 s4, s6;
	[sflag:s5] =	ssyncadd.s32 @!p0 $0xFFFFFFFF  }
0xb3: {  	s25 =	simm.s32 $0x1B8E;
	s24 =	sld [smem:$0x3FFE];
	[sflag:s4] =	ssyncadd.remote.s32 @!p0 $0x1  }
0xb4: {  	s26 =	simm.s32 $execute0_lowered;
	[smem:$0x3FD2] =	sst s25  }
0xb5: {  	s5 =	sshll.u32 s26, $0x1;
	_ =	strace $0x8000004C;
	[dreg:$0x1] =	wrdreg $0xFFFFFFFF  }
0xb6: {  	s28 =	simm.s32 $_size_execute0_lowered;
	s3 =	sadd.s32 s3, s5;
	[dreg:$0x0] =	wrdreg $0x0  }
0xb7: {  	s5 =	sshll.u32 s28, $0x1;
	[dreg:$0x2] =	wrdreg s3  }
0xb8: {  	[dreg:$0x3] =	wrdreg s5  }
0xb9: {  	[dreg:$0x4] =	wrdreg $0xC0  }
0xba: {  	_ =	task [dreg:s22], $0x5FFFF  }
0xbb: {  	[dreg:$0x1] =	wrdreg $0xFFFFFFFF  }
0xbc: {  	[dreg:$0x0] =	wrdreg $0x60  }
0xbd: {  	[dreg:$0x2] =	wrdreg s24  }
0xbe: {  	[dreg:$0x3] =	wrdreg $0x9  }
0xbf: {  	_ =	task.clear_ibuf [dreg:s22], $0x4FFFF;
	_ =	strace $0x9000004C  }
0xc0: {  	s29 =	simm.s32 $0x9;
	_ =	strace $0x8000004E  }
0xc1: {  	_ =	swait.ge [sflag:s29], $0x1  }
0xc2: {  	[sflag:s29] =	ssyncadd.s32 $0xFFFFFFFF  }
0xc3: {  	_ =	strace $0x9000004E  }
0xc4: {  	_ =	sfence  }
0xc5: {  	s30 =	sld [smem:$0x0];
	_ =	sdelay $0x2  }
0xc6: {  	s31 =	sshll.u32 s1, $0xD;
	s1 =	sshrl.u32 s1, $0x2  }
0xc7: {  	s4 =	sand.u32 $0x4000, s31;
	s1 =	sadd.s32 s1, s30  }
0xc8: {  	s0 =	sor.u32 s4, s0;
	s1 =	sshll.u32 s1, $0x11  }
0xc9: {  	s0 =	sor.u32 s1, s0  }
0xca: {  	s0 =	sadd.s32 $0x8F2B, s0  }
0xcb: {  	[sflag:s0] =	ssyncadd.remote.s32 $0x1  }
0xcc: {  	_ =	sfence.sel $0xFFFF  }
0xcd: {  	[dreg:$0x0] =	wrdreg $0xFFFFFFFF;
	(pc) =	sbr.abs _section_cstart, $3  }
0xce: {  	[dreg:$0x1] =	wrdreg $0xFFFFFFFF  }
0xcf: {  	_ =	task.clear_ibuf [dreg:s22], $0x2FFFF;
	_ =	strace $0x9FFFFFFF  }
0xd0: {  	(tm) =	ssettm $0x7FFFFFFF  }
0xd1: {  	_ =	shalt  }
tec
execute0_lowered:
.L_overlay_start_1:
0x0: {  	(tag) =	ssettag $0x1  }
0x1: {  	s7 =	rddreg [dreg:$0x0]  }
0x2: {  	s0 =	rddreg [dreg:$0x1];
	_ =	strace $0x8000004D  }
0x3: {  	s1 =	srdreg.scid;
	s4 =	simm.s32 $0x1;
	s9 =	simm.s32 $0x3  }
0x4: {  	s12 =	simm.s32 $0x0;
	s10 =	simm.s32 $0x0;
	s5 =	sshll.u32 s1, $0x4  }
.Ltmp0:
0x5: {  	s1 =	stileid.u32;
	s5 =	sand.u32 $0x10, s5;
	(pc) =	sbr.rel .LBB2_1-.Ltmp0, $4  }
0x6: {  	s2 =	sadd.s32 $0x124800, s7;
	s3 =	sadd.s32 $0x3A00, s7;
	s6 =	sor.u32 s1, s5  }
0x7: {  	[sflag:s4] =	ssyncpa.u1 $0x0;
	s5 =	simm.s32 $0x2;
	s6 =	sshll.u32 s6, $0x6  }
0x8: {  	s7 =	sadd.s32 $0x34200, s7;
	[sflag:s5] =	ssyncpa.u1 $0x0;
	s8 =	sadd.s32 $0x40, s6  }
0x9: {  	vm0 =	vmmov $0xff;
	vm1 =	vcmask $0x3F20;
	[sflag:s9] =	ssyncpa.u1 $0x0;
	s9 =	simm.s32 $0x40;
	s11 =	smov.u32 s6  }
.LBB2_11:
0xa: {  	p0 =	seq.s32 s10, $0x2  }
.Ltmp1:
0xb: {  	_ = 	snop;
	(pc) =	sbr.rel @p0 .LBB2_13-.Ltmp1, $1  }
0xc: {  	_ =	sdelay $0x3  }
.LBB2_12:
0xd: {  	s12 =	sadd.s32 $0x40, s11  }
0xe: {  	s13 =	smov.u32 s6;
	p0 =	slt.s32 s12, s8  }
0xf: {  	s13 =	smov.u32 @p0 s12  }
0x10: {  	s10 =	sadd.s32 $0x1, s10;
	s12 =	smov.u32 s11;
	s11 =	smov.u32 s13  }
.LBB2_1:
0x11: {  	p0 =	sne.s32 s10, $0x0  }
.Ltmp2:
0x12: {  	_ = 	snop;
	(pc) =	sbr.rel @!p0 .LBB2_2-.Ltmp2, $1  }
0x13: {  	_ =	sdelay $0x3  }
0x14: {  	s13 =	sand.u32 $0x1, s10  }
0x15: {  	p0 =	seq.s32 s13, $0x0  }
.Ltmp3:
0x16: {  	_ = 	snop;
	(pc) =	sbr.rel @p0 .LBB2_11-.Ltmp3, $1  }
0x17: {  	_ =	sdelay $0x3  }
0x18: {  	_ =	swait.ge [sflag:s5], $0x40  }
0x19: {  	[sflag:s5] =	ssyncset.done $0x0  }
0x1a: {  	s13 =	simm.s32 $0x0;
	s14 =	simm.s32 $0x80;
	[sflag:s5] =	ssyncadd.s32 $0xFFFFFFC0  }
.LBB2_5:
0x1b: {  	s15 =	sshll.u32 s13, $0x4  }
0x1c: {  	s15 =	sand.u32 $0x3FFFFFF0, s15  }
0x1d: {  	v0 =	vld.msk [tilespmem:s15+$0x40 ss:$0x1], $0xffff;
	_ =	sdelay $0x4  }
0x1e: {  	vm2 =	vgt.s32 v0, $0x0  }
0x1f: {  	v0 =	vnsel vm2, $0x0, v0  }
0x20: {  	v0 =	vmin.u32 v0, $0x307F  }
0x21: {  	v1 =	vshrl.u32 v0, $0x3  }
0x22: {  	v0 =	vshll.u32 v0, $0x7;
	v1 =	vmul.u32 $0x1800, v1  }
0x23: {  	v0 =	vand.u32 $0x380, v0  }
0x24: {  	v0 =	vor.u32 v0, v1  }
0x25: {  	v0 =	vshrl.u32 v0, $0x3;
	_ =	sdelay $0x2  }
0x26: {  	s16 =	sadd.s32 $0xFFFFE800, s14  }
0x27: {  	s31 =	sadd.s32 $0xD800, s16;
	s16 =	sadd.s32 $0xF000, s16;
	s15 =	simm.s32 $0xFFFFB000  }
0x28: {  	v1 =	vadd.s32 $0x80, v0;
	[tilespmem:s31], [sflag:$0x1] =	stream.indirect_vreg.gather [hbm:s2], $0x80, v0, vm0, $0x38;
	[tilespmem:$0x18080] =	vst v63  }
.LBB2_6:
0x29: {  	[tilespmem:s16], [sflag:$0x1] =	stream.indirect_vreg.gather [hbm:s2], $0x80, v0, vm1, $0x38;
	[tilespmem:$0x18080] =	vst v63  }
0x2a: {  	v0 =	vmov v1;
	p0 =	sne.s32 s15, $0xFFFFF000  }
.Ltmp4:
0x2b: {  	s16 =	sshra.s32 s15, $0x2;
	(pc) =	sbr.rel @p0 .LBB2_6-.Ltmp4, $4  }
0x2c: {  	s15 =	sadd.s32 $0x1000, s15;
	s16 =	sadd.s32 s16, s14  }
0x2d: {  	s17 =	sadd.s32 $0xD800, s16  }
0x2e: {  	[tilespmem:s17], [sflag:$0x1] =	stream.indirect_vreg.gather [hbm:s2], $0x80, v1, vm0, $0x38;
	[tilespmem:$0x18080] =	vst v63  }
0x2f: {  	s16 =	sadd.s32 $0xF000, s16;
	v1 =	vadd.s32 $0x80, v1  }
0x30: {  	s13 =	sadd.s32 $0x1, s13  }
0x31: {  	p0 =	sne.s32 s13, $0x4  }
.Ltmp5:
0x32: {  	_ = 	snop;
	(pc) =	sbr.rel @p0 .LBB2_5-.Ltmp5, $3  }
0x33: {  	_ =	sdelay $0x1  }
0x34: {  	[tilespmem:s16], [sflag:$0x1] =	stream.indirect_vreg.gather [hbm:s2], $0x80, v0, vm1, $0x38;
	[tilespmem:$0x18080] =	vst v63  }
0x35: {  	s14 =	sadd.s32 $0x3000, s14  }
0x36: {  	s13 =	sshrl.u32 s12, $0x3  }
0x37: {  	s13 =	smul.u32 $0x300, s13  }
0x38: {  	_ =	swait.ge [sflag:s4], $0xC000;
	s31 =	sshll.u32 s12, $0x4  }
0x39: {  	s14 =	simm.s32 $0x300;
	s12 =	sand.u32 $0x70, s31;
	s13 =	sadd.s32 s13, s7  }
0x3a: {  	s15 =	simm.s32 $0xD880;
	[sflag:s4] =	ssyncset.done $0x0;
	s12 =	sadd.s32 s12, s13  }
0x3b: {  	[sflag:s4] =	ssyncadd.s32 $0xFFFF4000;
	s13 =	simm.s32 $0xC080;
	s16 =	sadd.s32 $0x0, s12  }
.LBB2_9:
0x3c: {  	[hbm:s16] =	stream.linear.scatter [tilespmem:s13], [sflag:$0x3], $0x1800, $0x38;
	[tilespmem:$0x18080] =	vst v63  }
0x3d: {  	s16 =	smov.u32 s14;
	s13 =	smov.u32 s15;
	p0 =	sne.s32 s14, $0x1500  }
.Ltmp6:
0x3e: {  	s14 =	sadd.s32 $0x300, s14;
	(pc) =	sbr.rel @p0 .LBB2_9-.Ltmp6, $2  }
0x3f: {  	_ =	sdelay $0x2  }
0x40: {  	s15 =	sadd.s32 $0x1800, s15;
	s16 =	sadd.s32 s16, s12  }
.Ltmp7:
0x41: {  	(pc) =	sbr.rel .LBB2_11-.Ltmp7, $2  }
0x42: {  	_ =	sdelay $0x2  }
0x43: {  	[hbm:s16] =	stream.linear.scatter [tilespmem:s13], [sflag:$0x3], $0x1800, $0x38;
	[tilespmem:$0x18080] =	vst v63  }
.LBB2_2:
.Ltmp8:
0x44: {  	(pc) =	sbr.rel .LBB2_12-.Ltmp8, $4  }
0x45: {  	_ = 	snop  }
0x46: {  	s12 =	sshrl.u32 s11, $0x3  }
0x47: {  	s13 =	sand.u32 $0x7, s11;
	s12 =	sadd.s32 s3, s12  }
0x48: {  	[tilespmem:s9], [sflag:$0x2] =	stream.linear.gather [hbm4b:s12+s13], $0x40, $0x38;
	[tilespmem:$0x18080] =	vst v63  }
.LBB2_13:
0x49: {  	s2 =	simm.s32 $0x3  }
0x4a: {  	_ =	swait.ge [sflag:s2], $0xC000  }
0x4b: {  	[sflag:s2] =	ssyncset.done $0x0  }
0x4c: {  	[sflag:s2] =	ssyncadd.s32 $0xFFFF4000  }
0x4d: {  	_ =	sfence.sel $0x180000  }
0x4e: {  	s3 =	simm.s32 $0x2;
	[bflag:$0x0] =	sbarrier.arrive $0xFFFF  }
0x4f: {  	[sflag:s3] =	ssyncpa.u1 $0x1  }
0x50: {  	s31 =	simm.s32 $0x1;
	[sflag:s2] =	ssyncpa.u1 $0x1  }
0x51: {  	[sflag:s31] =	ssyncpa.u1 $0x1  }
0x52: {  	p0 =	sne.s32 s1, $0x0;
	_ =	strace $0x9000004D  }
0x53: {  	s0 =	sadd.s32 @!p0 $0x100000, s0;
	[bflag:$0x2] =	sbarrier.arrive $0xFFFF  }
0x54: {  	[sflag:s0] =	ssyncadd.tile.s32 @!p0 $0x1;
	_ =	shalt  }
.Lfunc_end2:
_tile_overlayer_lowered:
.L_overlay_start_2:
0x55: {  	(tag) =	ssettag $0x2  }
0x56: {  	s0 =	rddreg [dreg:$0x0];
	s2 =	stileid.u32  }
0x57: {  	s1 =	rddreg [dreg:$0x1];
	p0 =	sne.s32 s2, $0x0  }
0x58: {  	s3 =	rddreg [dreg:$0x2];
	[bflag:$0x3] =	sbarrier.arrive $0xFFFF;
	s2 =	simm.s32 @!p0 $0x1C01  }
0x59: {  	[timem:s3], [sflag:s2] =	dma.local @!p0 [hbm:s0], s1  }
0x5a: {  	s0 =	simm.s32 @!p0 $0x1  }
0x5b: {  	_ =	swait.ge @!p0 [sflag:s0], s1  }
0x5c: {  	s1 =	ssub.s32 @!p0 $0x0, s1;
	[sflag:s0] =	ssyncset.done @!p0 $0x0  }
0x5d: {  	[sflag:s0] =	ssyncadd.s32 @!p0 s1  }
0x5e: {  	[bflag:$0x3] =	sbarrier.arrive $0xFFFF  }
0x5f: {  	_ =	shalt  }

// kernel: kernel.6.cloned.1.call-start
scs
__scs_entry_jumppad:
0x0: {  	(pc) =	sbr.rel $0x88, $3  }
0x1: {  	(tag) =	ssettag $0x0;
	lr =	simm.s32 $0x1  }
0x2: {  	[smem:$0x3F97] =	sst lr;
	_ =	strace $0xD0000000  }
0x3: {  	_ = 	snop  }
0x4: {  	_ = 	snop  }
0x5: {  	_ = 	snop  }
0x6: {  	_ = 	snop  }
0x7: {  	_ = 	snop  }
__scs_overlays_trampoline_lowered:
0x8: {  	[smem:$0x3FA6] =	sst s0  }
0x9: {  	[smem:$0x3FA7] =	sst s1  }
0xa: {  	[smem:$0x3FA8] =	sst s2  }
0xb: {  	[smem:$0x3FA9] =	sst s3  }
0xc: {  	[smem:$0x3FAA] =	sst s4  }
0xd: {  	[smem:$0x3FAB] =	sst s5  }
0xe: {  	[smem:$0x3FAC] =	sst s6  }
0xf: {  	[smem:$0x3FAD] =	sst s7  }
0x10: {  	[smem:$0x3FAE] =	sst s8  }
0x11: {  	[smem:$0x3FAF] =	sst s9;
	s0 =	simm.s32 @!p0 $0x0  }
0x12: {  	s1 =	sld [smem:$0x3F95];
	s0 =	simm.s32 @p0 $0x1  }
0x13: {  	[smem:$0x3FB0] =	sst s0;
	s0 =	simm.s32 @!p1 $0x0  }
0x14: {  	s2 =	sld [smem:$0x3F94];
	s0 =	simm.s32 @p1 $0x1  }
0x15: {  	[smem:$0x3FB1] =	sst s0;
	s0 =	simm.s32 @!p2 $0x0  }
0x16: {  	s3 =	sld [smem:$0x3FDB];
	s0 =	simm.s32 @p2 $0x1  }
0x17: {  	s4 =	simm.s32 $0x1BF5;
	[smem:$0x3FB3] =	sst s0  }
0x18: {  	s0 =	sld [smem:$0x3F96];
	_ =	swait.ge [sflag:s4], $0x0  }
0x19: {  	s7 =	sld [smem:$0x3F97]  }
0x1a: {  	s8 =	sadd.s32 $0xFFFFE003, lr  }
0x1b: {  	s9 =	sadd.s32 $0xFFFFFEF7, lr;
	s5 =	simm.s32 $0xFFFFFFFF;
	p2 =	slt.u32 s8, $0xFFFFF086  }
0x1c: {  	p1 =	slt.u32 s9, $0xF7A;
	s5 =	simm.s32 @!p2 $0x0  }
0x1d: {  	s5 =	simm.s32 @p1 $0x1;
	p0 =	seq.s32 s7, s2  }
0x1e: {  	s7 =	smul.u32 @!p0 $0xF7A, s2;
	p2 =	seq.s32 @!p0 s5, $0x0  }
0x1f: {  	s9 =	smul.u32 $0xF7A, s1;
	s8 =	simm.s32 @!p0 $0x1BF5;
	p2 =	por !p2, p0  }
0x20: {  	[sflag:s8] =	ssyncset.s32 @!p0 $0xFFFFF086;
	s6 =	sadd.s32 @!p0 s3, s7;
	s7 =	simm.s32 @!p0 $0x108  }
0x21: {  	s3 =	sadd.s32 s3, s9;
	s6 =	sadd.s32 @!p0 $0x88, s6;
	s7 =	simm.s32 @p2 $0x1082  }
0x22: {  	[simem:s7], [sflag:s8] =	dma.local @!p0 [hbm:s6], $0xF7A  }
0x23: {  	s9 =	sor.u32 $0xD0000000, s2;
	s6 =	simm.s32 $0x108;
	_ =	swait.ge @!p0 [sflag:s8], $0x0  }
0x24: {  	s3 =	sadd.s32 $0x88, s3;
	s6 =	simm.s32 @!p1 $0x1082;
	[sflag:s4] =	ssyncset.s32 $0xFFFFF086  }
0x25: {  	[simem:s6], [sflag:s4] =	dma.local [hbm:s3], $0xF7A  }
0x26: {  	[smem:$0x3F97] =	sst s1;
	(tag) =	ssettag s2;
	_ =	strace s9  }
0x27: {  	s1 =	sld [smem:$0x3FA7]  }
0x28: {  	s2 =	sld [smem:$0x3FA8]  }
0x29: {  	s4 =	sld [smem:$0x3FAA]  }
0x2a: {  	p0 =	seq.s32 s5, $0x0;
	s5 =	sld [smem:$0x3FAB]  }
0x2b: {  	s6 =	sld [smem:$0x3FAC]  }
0x2c: {  	s7 =	sld [smem:$0x3FAD]  }
0x2d: {  	s3 =	simm.s32 $0x108;
	s8 =	sld [smem:$0x3FAE]  }
0x2e: {  	s3 =	simm.s32 @!p0 $0x1082;
	s9 =	sld [smem:$0x3FAF]  }
0x2f: {  	lr =	sadd.s32 s0, s3;
	s0 =	sld [smem:$0x3FA6]  }
0x30: {  	s3 =	sld [smem:$0x3FA9]  }
0x31: {  	[smem:$0x3FB2] =	sst s10  }
0x32: {  	s10 =	sld [smem:$0x3FB0];
	_ =	sdelay $0x3  }
0x33: {  	p0 =	seq.s32 s10, $0x1;
	s10 =	sld [smem:$0x3FB2];
	_ =	sdelay $0x3  }
0x34: {  	[smem:$0x3FB2] =	sst s10  }
0x35: {  	s10 =	sld [smem:$0x3FB1];
	_ =	sdelay $0x3  }
0x36: {  	p1 =	seq.s32 s10, $0x1;
	s10 =	sld [smem:$0x3FB2];
	_ =	sdelay $0x3  }
0x37: {  	[smem:$0x3FB2] =	sst s10  }
0x38: {  	s10 =	sld [smem:$0x3FB3]  }
0x39: {  	_ = 	snop;
	(pc) =	sbr.ind lr, $3  }
0x3a: {  	_ = 	snop  }
0x3b: {  	_ = 	snop  }
0x3c: {  	p2 =	seq.s32 s10, $0x1;
	s10 =	sld [smem:$0x3FB2]  }
0x3d: {  	_ =	shalt  }
0x3e: {  	_ =	shalt  }
0x3f: {  	_ =	shalt  }
0x40: {  	_ =	shalt  }
0x41: {  	_ =	shalt  }
0x42: {  	_ =	shalt  }
0x43: {  	_ =	shalt  }
0x44: {  	_ =	shalt  }
0x45: {  	_ =	shalt  }
0x46: {  	_ =	shalt  }
0x47: {  	_ =	shalt  }
0x48: {  	_ =	shalt  }
0x49: {  	_ =	shalt  }
0x4a: {  	_ =	shalt  }
0x4b: {  	_ =	shalt  }
0x4c: {  	_ =	shalt  }
0x4d: {  	_ =	shalt  }
0x4e: {  	_ =	shalt  }
0x4f: {  	_ =	shalt  }
0x50: {  	_ =	shalt  }
0x51: {  	_ =	shalt  }
0x52: {  	_ =	shalt  }
0x53: {  	_ =	shalt  }
0x54: {  	_ =	shalt  }
0x55: {  	_ =	shalt  }
0x56: {  	_ =	shalt  }
0x57: {  	_ =	shalt  }
0x58: {  	_ =	shalt  }
0x59: {  	_ =	shalt  }
0x5a: {  	_ =	shalt  }
0x5b: {  	_ =	shalt  }
0x5c: {  	_ =	shalt  }
0x5d: {  	_ =	shalt  }
0x5e: {  	_ =	shalt  }
0x5f: {  	_ =	shalt  }
0x60: {  	_ =	shalt  }
0x61: {  	_ =	shalt  }
0x62: {  	_ =	shalt  }
0x63: {  	_ =	shalt  }
0x64: {  	_ =	shalt  }
0x65: {  	_ =	shalt  }
0x66: {  	_ =	shalt  }
0x67: {  	_ =	shalt  }
0x68: {  	_ =	shalt  }
0x69: {  	_ =	shalt  }
0x6a: {  	_ =	shalt  }
0x6b: {  	_ =	shalt  }
0x6c: {  	_ =	shalt  }
0x6d: {  	_ =	shalt  }
0x6e: {  	_ =	shalt  }
0x6f: {  	_ =	shalt  }
0x70: {  	_ =	shalt  }
0x71: {  	_ =	shalt  }
0x72: {  	_ =	shalt  }
0x73: {  	_ =	shalt  }
0x74: {  	_ =	shalt  }
0x75: {  	_ =	shalt  }
0x76: {  	_ =	shalt  }
0x77: {  	_ =	shalt  }
0x78: {  	_ =	shalt  }
0x79: {  	_ =	shalt  }
0x7a: {  	_ =	shalt  }
0x7b: {  	_ =	shalt  }
0x7c: {  	_ =	shalt  }
0x7d: {  	_ =	shalt  }
0x7e: {  	_ =	shalt  }
0x7f: {  	_ =	shalt  }
0x80: {  	_ =	shalt  }
0x81: {  	_ =	shalt  }
0x82: {  	_ =	shalt  }
0x83: {  	_ =	shalt  }
0x84: {  	_ =	shalt  }
0x85: {  	_ =	shalt  }
0x86: {  	_ =	shalt  }
0x87: {  	_ =	shalt  }
.Lfunc_end0:
.L_simem_size_0:
called_computation.2_lowered:
.L_overlay_start_0:
0x88: {  	s2 =	sld [smem:$0x3FD9]  }
0x89: {  	s3 =	sld [smem:$0x3FFE];
	_ =	sdelay $0x1  }
0x8a: {  	s1 =	srdreg.scid  }
0x8b: {  	s0 =	sand.u32 $0x1, s1  }
0x8c: {  	s17 =	sshll.u32 s0, $0xA;
	s2 =	sadd.s32 s3, s2  }
0x8d: {  	s2 =	sadd.s32 s2, s17  }
0x8e: {  	[smem:$0x3FBE] =	sst s2  }
0x8f: {  	_ = 	snop  }
0x90: {  	s2 =	sld [smem:$0x3FC9];
	(tm) =	ssettm $0x1  }
0x91: {  	s18 =	sld [smem:$0x3FFB];
	_ =	sdelay $0x3  }
0x92: {  	_ =	strace s18  }
0x93: {  	s3 =	sld [smem:$0x3FFC];
	_ =	sdelay $0x3  }
0x94: {  	_ =	strace s3  }
0x95: {  	s3 =	sld [smem:$0x3FFD];
	_ =	sdelay $0x3  }
0x96: {  	_ =	strace s3  }
0x97: {  	_ =	strace $0x8FFFFFFF  }
0x98: {  	s19 =	sld [smem:$0x3FDB];
	_ =	sdelay $0x1  }
0x99: {  	s4 =	simm.s32 $_scs_section_size  }
0x9a: {  	s5 =	simm.s32 $_size__tile_overlayer_lowered;
	s6 =	simm.s32 $_tile_overlayer_lowered  }
0x9b: {  	s22 =	simm.s32 $0x1BFF;
	s21 =	sshll.u32 s6, $0x1;
	s3 =	sadd.s32 s4, s19  }
0x9c: {  	s7 =	simm.s32 $0x0;
	s20 =	sshll.u32 s5, $0x1;
	s5 =	sadd.s32 s21, s3  }
0x9d: {  	[timem:s7], [sflag:s22] =	dma.local [hbm:s5], s20  }
0x9e: {  	_ =	swait.ge [sflag:s22], s20  }
0x9f: {  	s4 =	ssub.s32 $0x0, s20;
	[sflag:s22] =	ssyncset.done $0x0  }
0xa0: {  	[sflag:s22] =	ssyncadd.s32 s4;
	_ =	sdelay $0x1  }
0xa1: {  	s23 =	simm.s32 $0x1B8B  }
0xa2: {  	_ =	swait.ge [sflag:s23], $0x1  }
0xa3: {  	[sflag:s23] =	ssyncset.done $0x0  }
0xa4: {  	s25 =	simm.s32 $0x1B8E;
	s24 =	sld [smem:$0x3FFE];
	[sflag:s23] =	ssyncadd.s32 $0xFFFFFFFF  }
0xa5: {  	s26 =	simm.s32 $execute0_lowered;
	[smem:$0x3FD2] =	sst s25  }
0xa6: {  	s5 =	sshll.u32 s26, $0x1;
	_ =	strace $0x80000046;
	[dreg:$0x1] =	wrdreg $0xFFFFFFFF  }
0xa7: {  	s28 =	simm.s32 $_size_execute0_lowered;
	s3 =	sadd.s32 s3, s5;
	[dreg:$0x0] =	wrdreg $0x0  }
0xa8: {  	s5 =	sshll.u32 s28, $0x1;
	[dreg:$0x2] =	wrdreg s3  }
0xa9: {  	[dreg:$0x3] =	wrdreg s5  }
0xaa: {  	[dreg:$0x4] =	wrdreg $0xC0  }
0xab: {  	_ =	task [dreg:s7], $0x5FFFF  }
0xac: {  	[dreg:$0x1] =	wrdreg $0xFFFFFFFF  }
0xad: {  	[dreg:$0x0] =	wrdreg $0x60  }
0xae: {  	[dreg:$0x2] =	wrdreg s2  }
0xaf: {  	[dreg:$0x3] =	wrdreg s24  }
0xb0: {  	[dreg:$0x4] =	wrdreg $0x9  }
0xb1: {  	_ =	task.clear_ibuf [dreg:s7], $0x5FFFF;
	_ =	strace $0x90000046  }
0xb2: {  	s29 =	simm.s32 $0x9;
	_ =	strace $0x80000048  }
0xb3: {  	_ =	swait.ge [sflag:s29], $0x1  }
0xb4: {  	[sflag:s29] =	ssyncadd.s32 $0xFFFFFFFF  }
0xb5: {  	_ =	strace $0x90000048  }
0xb6: {  	_ =	sfence  }
0xb7: {  	s30 =	sld [smem:$0x0];
	_ =	sdelay $0x2  }
0xb8: {  	s31 =	sshll.u32 s1, $0xD;
	s1 =	sshrl.u32 s1, $0x2  }
0xb9: {  	s3 =	sand.u32 $0x4000, s31;
	s1 =	sadd.s32 s1, s30  }
0xba: {  	s0 =	sor.u32 s3, s0;
	s1 =	sshll.u32 s1, $0x11  }
0xbb: {  	s0 =	sor.u32 s1, s0  }
0xbc: {  	s0 =	sadd.s32 $0x8F2B, s0  }
0xbd: {  	[sflag:s0] =	ssyncadd.remote.s32 $0x1  }
0xbe: {  	_ =	sfence.sel $0xFFFF  }
0xbf: {  	[dreg:$0x0] =	wrdreg $0xFFFFFFFF;
	(pc) =	sbr.abs _section_cstart, $3  }
0xc0: {  	[dreg:$0x1] =	wrdreg $0xFFFFFFFF  }
0xc1: {  	_ =	task.clear_ibuf [dreg:s7], $0x2FFFF;
	_ =	strace $0x9FFFFFFF  }
0xc2: {  	(tm) =	ssettm $0x7FFFFFFF  }
0xc3: {  	_ =	shalt  }
tec
execute0_lowered:
.L_overlay_start_1:
0x0: {  	(tag) =	ssettag $0x1  }
0x1: {  	s0 =	rddreg [dreg:$0x0]  }
0x2: {  	s1 =	rddreg [dreg:$0x1]  }
0x3: {  	s2 =	srdreg.scid;
	s3 =	stileid.u32  }
0x4: {  	s26 =	simm.s32 $0x80;
	s8 =	simm.s32 $0x100;
	s11 =	simm.s32 $0x1900  }
0x5: {  	s12 =	simm.s32 $0x2100;
	s13 =	simm.s32 $0x2900;
	s14 =	simm.s32 $0x3100  }
0x6: {  	s15 =	simm.s32 $0x3900;
	s16 =	simm.s32 $0x4100;
	s17 =	simm.s32 $0x4900  }
0x7: {  	s18 =	simm.s32 $0x5100;
	s19 =	simm.s32 $0x5900;
	s20 =	simm.s32 $0x6100  }
0x8: {  	s21 =	simm.s32 $0x6900;
	s22 =	simm.s32 $0x7100;
	s23 =	simm.s32 $0x7900  }
0x9: {  	s28 =	simm.s32 $0x9900;
	s29 =	simm.s32 $0xA100;
	s30 =	simm.s32 $0xA900  }
0xa: {  	s31 =	simm.s32 $0xB100;
	s4 =	sand.u32 $0x1, s2;
	s2 =	simm.s32 $0x0  }
0xb: {  	s3 =	sshll.u32 s3, $0x4;
	s5 =	sshll.u32 s4, $0x3;
	[smem:$0x7FF] =	sst s2  }
0xc: {  	s4 =	ssub.s32 $0x2, s4;
	s5 =	sor.u32 s5, s3;
	_ =	strace $0x80000047  }
0xd: {  	s3 =	sadd.s32 $0x4600, s1;
	s24 =	sshrl.u32 s4, $0x1;
	[dreg:$0x6] =	wrdreg s26  }
0xe: {  	s26 =	simm.s32 $0x9100;
	s6 =	sadd.s32 s5, s1;
	s5 =	smul.u32 $0x300, s5  }
0xf: {  	s25 =	ssub.s32 s4, s24;
	s4 =	sadd.s32 $0x4700, s1;
	s7 =	sadd.s32 $0x4400, s6  }
0x10: {  	s24 =	simm.s32 $0x8100;
	s6 =	sadd.s32 $0x4200, s6;
	[dreg:$0x3] =	wrdreg s7  }
0x11: {  	v2 =	vlaneseq.u32;
	[dreg:$0x4] =	wrdreg s6;
	s0 =	sadd.s32 s0, s5;
	s5 =	sadd.s32 $0x4800, s1  }
0x12: {  	vm0 =	vmmov $0xffff;
	v1 =	vshrl.u32 v2, $0x3;
	s6 =	smax.u32 s25, $0x1;
	s7 =	simm.s32 $0x2;
	s25 =	simm.s32 $0x8900  }
0x13: {  	v0 =	vand.u32 $0x7, v2;
	v2 =	vor.u32 $0x8, v2;
	v1 =	vmul.u32 $0x8, v1;
	s1 =	simm.s32 $0x1;
	[dreg:$0x5] =	wrdreg s0;
	s0 =	simm.s32 $0xB900  }
.LBB2_1:
0x14: {  	s9 =	rddreg [dreg:$0x3]  }
0x15: {  	[tilespmem:s2], [sflag:$0x2] =	stream.linear.gather [hbm4b:s9+s2], $0x40, $0x38;
	[tilespmem:$0xC100] =	vst v63  }
0x16: {  	_ =	swait.ge [sflag:s7], $0x40  }
0x17: {  	s9 =	rddreg [dreg:$0x4];
	[sflag:s7] =	ssyncset.done $0x0  }
0x18: {  	s10 =	rddreg [dreg:$0x6];
	[sflag:s7] =	ssyncadd.s32 $0xFFFFFFC0  }
0x19: {  	[tilespmem:s10], [sflag:$0x2] =	stream.linear.gather [hbm4b:s9+s2], $0x40, $0x38;
	[tilespmem:$0xC100] =	vst v63  }
0x1a: {  	_ =	swait.ge [sflag:s7], $0x40  }
0x1b: {  	[sflag:s7] =	ssyncset.done $0x0  }
0x1c: {  	s10 =	rddreg [dreg:$0x5];
	[sflag:s7] =	ssyncadd.s32 $0xFFFFFFC0  }
0x1d: {  	[tilespmem:s8], [sflag:$0x2] =	stream.linear.gather [hbm4b:s10+s2], $0xC000, $0x38;
	[tilespmem:$0xC100] =	vst v63  }
0x1e: {  	_ =	swait.ge [sflag:s7], $0xC000  }
0x1f: {  	[sflag:s7] =	ssyncset.done $0x0  }
0x20: {  	[sflag:s7] =	ssyncadd.s32 $0xFFFF4000  }
0x21: {  	v3 =	vld [tilespmem:$0x0];
	_ =	sdelay $0x4  }
0x22: {  	v4 =	vshrl.u32 v3, $0x3  }
0x23: {  	v4 =	vmul.u32 $0x30, v4  }
0x24: {  	v3 =	vand.u32 $0x7, v3  }
0x25: {  	v3 =	vor.u32 v3, v4  }
0x26: {  	v4 =	vperm.xlane v3, v0;
	_ =	sdelay $0x1  }
0x27: {  	v4 =	vadd.s32 v1, v4;
	_ =	sdelay $0x3  }
0x28: {  	v3 =	vperm.xlane v3, v2  }
0x29: {  	[hbm4b:s3+s2] =	stream.indirect_vreg.scatter [tilespmem:s8], [sflag:$0x1], $0x80, v4, vm0, $0xb8;
	[tilespmem:$0xC100] =	vst v63  }
0x2a: {  	s9 =	simm.s32 $0x900;
	v3 =	vadd.s32 v1, v3  }
0x2b: {  	[hbm4b:s4+s2] =	stream.indirect_vreg.scatter [tilespmem:s9], [sflag:$0x1], $0x80, v4, vm0, $0xb8;
	[tilespmem:$0xC100] =	vst v63  }
0x2c: {  	s10 =	simm.s32 $0x1100  }
0x2d: {  	[hbm4b:s5+s2] =	stream.indirect_vreg.scatter [tilespmem:s10], [sflag:$0x1], $0x80, v4, vm0, $0xb8;
	[tilespmem:$0xC100] =	vst v63  }
0x2e: {  	_ = 	snop  }
0x2f: {  	[hbm4b:s3+s2] =	stream.indirect_vreg.scatter [tilespmem:s11], [sflag:$0x1], $0x80, v3, vm0, $0xb8;
	[tilespmem:$0xC100] =	vst v63  }
0x30: {  	_ = 	snop  }
0x31: {  	[hbm4b:s4+s2] =	stream.indirect_vreg.scatter [tilespmem:s12], [sflag:$0x1], $0x80, v3, vm0, $0xb8;
	[tilespmem:$0xC100] =	vst v63  }
0x32: {  	_ = 	snop  }
0x33: {  	[hbm4b:s5+s2] =	stream.indirect_vreg.scatter [tilespmem:s13], [sflag:$0x1], $0x80, v3, vm0, $0xb8;
	[tilespmem:$0xC100] =	vst v63  }
0x34: {  	v3 =	vld [tilespmem:$0x10];
	_ =	sdelay $0x4  }
0x35: {  	v57 =	vshrl.u32 v3, $0x3  }
0x36: {  	v4 =	vmul.u32 $0x30, v57  }
0x37: {  	v3 =	vand.u32 $0x7, v3  }
0x38: {  	v3 =	vor.u32 v3, v4  }
0x39: {  	v4 =	vperm.xlane v3, v0;
	_ =	sdelay $0x1  }
0x3a: {  	v4 =	vadd.s32 v1, v4;
	_ =	sdelay $0x3  }
0x3b: {  	v3 =	vperm.xlane v3, v2  }
0x3c: {  	[hbm4b:s3+s2] =	stream.indirect_vreg.scatter [tilespmem:s14], [sflag:$0x1], $0x80, v4, vm0, $0xb8;
	[tilespmem:$0xC100] =	vst v63  }
0x3d: {  	v3 =	vadd.s32 v1, v3  }
0x3e: {  	[hbm4b:s4+s2] =	stream.indirect_vreg.scatter [tilespmem:s15], [sflag:$0x1], $0x80, v4, vm0, $0xb8;
	[tilespmem:$0xC100] =	vst v63  }
0x3f: {  	_ = 	snop  }
0x40: {  	[hbm4b:s5+s2] =	stream.indirect_vreg.scatter [tilespmem:s16], [sflag:$0x1], $0x80, v4, vm0, $0xb8;
	[tilespmem:$0xC100] =	vst v63  }
0x41: {  	_ = 	snop  }
0x42: {  	[hbm4b:s3+s2] =	stream.indirect_vreg.scatter [tilespmem:s17], [sflag:$0x1], $0x80, v3, vm0, $0xb8;
	[tilespmem:$0xC100] =	vst v63  }
0x43: {  	_ = 	snop  }
0x44: {  	[hbm4b:s4+s2] =	stream.indirect_vreg.scatter [tilespmem:s18], [sflag:$0x1], $0x80, v3, vm0, $0xb8;
	[tilespmem:$0xC100] =	vst v63  }
0x45: {  	_ = 	snop  }
0x46: {  	[hbm4b:s5+s2] =	stream.indirect_vreg.scatter [tilespmem:s19], [sflag:$0x1], $0x80, v3, vm0, $0xb8;
	[tilespmem:$0xC100] =	vst v63  }
0x47: {  	v3 =	vld [tilespmem:$0x20];
	_ =	sdelay $0x4  }
0x48: {  	v58 =	vshrl.u32 v3, $0x3  }
0x49: {  	v4 =	vmul.u32 $0x30, v58  }
0x4a: {  	v3 =	vand.u32 $0x7, v3  }
0x4b: {  	v3 =	vor.u32 v3, v4  }
0x4c: {  	v4 =	vperm.xlane v3, v0;
	_ =	sdelay $0x1  }
0x4d: {  	v4 =	vadd.s32 v1, v4;
	_ =	sdelay $0x3  }
0x4e: {  	v3 =	vperm.xlane v3, v2  }
0x4f: {  	[hbm4b:s3+s2] =	stream.indirect_vreg.scatter [tilespmem:s20], [sflag:$0x1], $0x80, v4, vm0, $0xb8;
	[tilespmem:$0xC100] =	vst v63  }
0x50: {  	v3 =	vadd.s32 v1, v3  }
0x51: {  	[hbm4b:s4+s2] =	stream.indirect_vreg.scatter [tilespmem:s21], [sflag:$0x1], $0x80, v4, vm0, $0xb8;
	[tilespmem:$0xC100] =	vst v63  }
0x52: {  	_ = 	snop  }
0x53: {  	[hbm4b:s5+s2] =	stream.indirect_vreg.scatter [tilespmem:s22], [sflag:$0x1], $0x80, v4, vm0, $0xb8;
	[tilespmem:$0xC100] =	vst v63  }
0x54: {  	_ = 	snop  }
0x55: {  	[hbm4b:s3+s2] =	stream.indirect_vreg.scatter [tilespmem:s23], [sflag:$0x1], $0x80, v3, vm0, $0xb8;
	[tilespmem:$0xC100] =	vst v63  }
0x56: {  	_ = 	snop  }
0x57: {  	[hbm4b:s4+s2] =	stream.indirect_vreg.scatter [tilespmem:s24], [sflag:$0x1], $0x80, v3, vm0, $0xb8;
	[tilespmem:$0xC100] =	vst v63  }
0x58: {  	_ = 	snop  }
0x59: {  	[hbm4b:s5+s2] =	stream.indirect_vreg.scatter [tilespmem:s25], [sflag:$0x1], $0x80, v3, vm0, $0xb8;
	[tilespmem:$0xC100] =	vst v63  }
0x5a: {  	v3 =	vld [tilespmem:$0x30];
	_ =	sdelay $0x4  }
0x5b: {  	v59 =	vshrl.u32 v3, $0x3  }
0x5c: {  	v4 =	vmul.u32 $0x30, v59  }
0x5d: {  	v3 =	vand.u32 $0x7, v3  }
0x5e: {  	v3 =	vor.u32 v3, v4  }
0x5f: {  	v4 =	vperm.xlane v3, v0;
	_ =	sdelay $0x1  }
0x60: {  	v4 =	vadd.s32 v1, v4;
	_ =	sdelay $0x3  }
0x61: {  	v3 =	vperm.xlane v3, v2  }
0x62: {  	[hbm4b:s3+s2] =	stream.indirect_vreg.scatter [tilespmem:s26], [sflag:$0x1], $0x80, v4, vm0, $0xb8;
	[tilespmem:$0xC100] =	vst v63  }
0x63: {  	v3 =	vadd.s32 v1, v3  }
0x64: {  	[hbm4b:s4+s2] =	stream.indirect_vreg.scatter [tilespmem:s28], [sflag:$0x1], $0x80, v4, vm0, $0xb8;
	[tilespmem:$0xC100] =	vst v63  }
0x65: {  	_ = 	snop  }
0x66: {  	[hbm4b:s5+s2] =	stream.indirect_vreg.scatter [tilespmem:s29], [sflag:$0x1], $0x80, v4, vm0, $0xb8;
	[tilespmem:$0xC100] =	vst v63  }
0x67: {  	_ = 	snop  }
0x68: {  	[hbm4b:s3+s2] =	stream.indirect_vreg.scatter [tilespmem:s30], [sflag:$0x1], $0x80, v3, vm0, $0xb8;
	[tilespmem:$0xC100] =	vst v63  }
0x69: {  	_ = 	snop  }
0x6a: {  	[hbm4b:s4+s2] =	stream.indirect_vreg.scatter [tilespmem:s31], [sflag:$0x1], $0x80, v3, vm0, $0xb8;
	[tilespmem:$0xC100] =	vst v63  }
0x6b: {  	_ = 	snop  }
0x6c: {  	[hbm4b:s5+s2] =	stream.indirect_vreg.scatter [tilespmem:s0], [sflag:$0x1], $0x80, v3, vm0, $0xb8;
	[tilespmem:$0xC100] =	vst v63  }
0x6d: {  	_ =	swait.ge [sflag:s1], $0xC000  }
0x6e: {  	[sflag:s1] =	ssyncset.done $0x0  }
0x6f: {  	[sflag:s1] =	ssyncadd.s32 $0xFFFF4000  }
0x70: {  	v3 =	vld [tilespmem:$0x80];
	_ =	sdelay $0x4  }
0x71: {  	v60 =	vshrl.u32 v3, $0x3  }
0x72: {  	v4 =	vmul.u32 $0x30, v60  }
0x73: {  	v3 =	vand.u32 $0x7, v3  }
0x74: {  	v3 =	vor.u32 v3, v4  }
0x75: {  	v4 =	vperm.xlane v3, v0;
	_ =	sdelay $0x1  }
0x76: {  	v4 =	vadd.s32 v1, v4;
	_ =	sdelay $0x3  }
0x77: {  	v3 =	vperm.xlane v3, v2  }
0x78: {  	[hbm4b:s3+s2] =	stream.indirect_vreg.scatter [tilespmem:s8], [sflag:$0x1], $0x80, v4, vm0, $0xb8;
	[tilespmem:$0xC100] =	vst v63  }
0x79: {  	v3 =	vadd.s32 v1, v3  }
0x7a: {  	[hbm4b:s4+s2] =	stream.indirect_vreg.scatter [tilespmem:s9], [sflag:$0x1], $0x80, v4, vm0, $0xb8;
	[tilespmem:$0xC100] =	vst v63  }
0x7b: {  	_ = 	snop  }
0x7c: {  	[hbm4b:s5+s2] =	stream.indirect_vreg.scatter [tilespmem:s10], [sflag:$0x1], $0x80, v4, vm0, $0xb8;
	[tilespmem:$0xC100] =	vst v63  }
0x7d: {  	_ = 	snop  }
0x7e: {  	[hbm4b:s3+s2] =	stream.indirect_vreg.scatter [tilespmem:s11], [sflag:$0x1], $0x80, v3, vm0, $0xb8;
	[tilespmem:$0xC100] =	vst v63  }
0x7f: {  	_ = 	snop  }
0x80: {  	[hbm4b:s4+s2] =	stream.indirect_vreg.scatter [tilespmem:s12], [sflag:$0x1], $0x80, v3, vm0, $0xb8;
	[tilespmem:$0xC100] =	vst v63  }
0x81: {  	_ = 	snop  }
0x82: {  	[hbm4b:s5+s2] =	stream.indirect_vreg.scatter [tilespmem:s13], [sflag:$0x1], $0x80, v3, vm0, $0xb8;
	[tilespmem:$0xC100] =	vst v63  }
0x83: {  	v3 =	vld [tilespmem:$0x90];
	_ =	sdelay $0x4  }
0x84: {  	v61 =	vshrl.u32 v3, $0x3  }
0x85: {  	v4 =	vmul.u32 $0x30, v61  }
0x86: {  	v3 =	vand.u32 $0x7, v3  }
0x87: {  	v3 =	vor.u32 v3, v4  }
0x88: {  	v4 =	vperm.xlane v3, v0;
	_ =	sdelay $0x1  }
0x89: {  	v4 =	vadd.s32 v1, v4;
	_ =	sdelay $0x3  }
0x8a: {  	v3 =	vperm.xlane v3, v2  }
0x8b: {  	[hbm4b:s3+s2] =	stream.indirect_vreg.scatter [tilespmem:s14], [sflag:$0x1], $0x80, v4, vm0, $0xb8;
	[tilespmem:$0xC100] =	vst v63  }
0x8c: {  	v3 =	vadd.s32 v1, v3  }
0x8d: {  	[hbm4b:s4+s2] =	stream.indirect_vreg.scatter [tilespmem:s15], [sflag:$0x1], $0x80, v4, vm0, $0xb8;
	[tilespmem:$0xC100] =	vst v63  }
0x8e: {  	_ = 	snop  }
0x8f: {  	[hbm4b:s5+s2] =	stream.indirect_vreg.scatter [tilespmem:s16], [sflag:$0x1], $0x80, v4, vm0, $0xb8;
	[tilespmem:$0xC100] =	vst v63  }
0x90: {  	_ = 	snop  }
0x91: {  	[hbm4b:s3+s2] =	stream.indirect_vreg.scatter [tilespmem:s17], [sflag:$0x1], $0x80, v3, vm0, $0xb8;
	[tilespmem:$0xC100] =	vst v63  }
0x92: {  	_ = 	snop  }
0x93: {  	[hbm4b:s4+s2] =	stream.indirect_vreg.scatter [tilespmem:s18], [sflag:$0x1], $0x80, v3, vm0, $0xb8;
	[tilespmem:$0xC100] =	vst v63  }
0x94: {  	_ = 	snop  }
0x95: {  	[hbm4b:s5+s2] =	stream.indirect_vreg.scatter [tilespmem:s19], [sflag:$0x1], $0x80, v3, vm0, $0xb8;
	[tilespmem:$0xC100] =	vst v63  }
0x96: {  	v3 =	vld [tilespmem:$0xA0];
	_ =	sdelay $0x4  }
0x97: {  	v62 =	vshrl.u32 v3, $0x3  }
0x98: {  	v4 =	vmul.u32 $0x30, v62  }
0x99: {  	v3 =	vand.u32 $0x7, v3  }
0x9a: {  	v3 =	vor.u32 v3, v4  }
0x9b: {  	v4 =	vperm.xlane v3, v0;
	_ =	sdelay $0x1  }
0x9c: {  	v4 =	vadd.s32 v1, v4;
	_ =	sdelay $0x3  }
0x9d: {  	v3 =	vperm.xlane v3, v2  }
0x9e: {  	[hbm4b:s3+s2] =	stream.indirect_vreg.scatter [tilespmem:s20], [sflag:$0x1], $0x80, v4, vm0, $0xb8;
	[tilespmem:$0xC100] =	vst v63  }
0x9f: {  	v3 =	vadd.s32 v1, v3  }
0xa0: {  	[hbm4b:s4+s2] =	stream.indirect_vreg.scatter [tilespmem:s21], [sflag:$0x1], $0x80, v4, vm0, $0xb8;
	[tilespmem:$0xC100] =	vst v63  }
0xa1: {  	_ = 	snop  }
0xa2: {  	[hbm4b:s5+s2] =	stream.indirect_vreg.scatter [tilespmem:s22], [sflag:$0x1], $0x80, v4, vm0, $0xb8;
	[tilespmem:$0xC100] =	vst v63  }
0xa3: {  	_ = 	snop  }
0xa4: {  	[hbm4b:s3+s2] =	stream.indirect_vreg.scatter [tilespmem:s23], [sflag:$0x1], $0x80, v3, vm0, $0xb8;
	[tilespmem:$0xC100] =	vst v63  }
0xa5: {  	_ = 	snop  }
0xa6: {  	[hbm4b:s4+s2] =	stream.indirect_vreg.scatter [tilespmem:s24], [sflag:$0x1], $0x80, v3, vm0, $0xb8;
	[tilespmem:$0xC100] =	vst v63  }
0xa7: {  	_ = 	snop  }
0xa8: {  	[hbm4b:s5+s2] =	stream.indirect_vreg.scatter [tilespmem:s25], [sflag:$0x1], $0x80, v3, vm0, $0xb8;
	[tilespmem:$0xC100] =	vst v63  }
0xa9: {  	v3 =	vld [tilespmem:$0xB0];
	_ =	sdelay $0x4  }
0xaa: {  	v63 =	vshrl.u32 v3, $0x3  }
0xab: {  	v4 =	vmul.u32 $0x30, v63  }
0xac: {  	v3 =	vand.u32 $0x7, v3  }
0xad: {  	v3 =	vor.u32 v3, v4  }
0xae: {  	v4 =	vperm.xlane v3, v0;
	_ =	sdelay $0x1  }
0xaf: {  	v4 =	vadd.s32 v1, v4;
	_ =	sdelay $0x3  }
0xb0: {  	v3 =	vperm.xlane v3, v2  }
0xb1: {  	[hbm4b:s3+s2] =	stream.indirect_vreg.scatter [tilespmem:s26], [sflag:$0x1], $0x80, v4, vm0, $0xb8;
	[tilespmem:$0xC100] =	vst v63  }
0xb2: {  	v3 =	vadd.s32 v1, v3  }
0xb3: {  	[hbm4b:s4+s2] =	stream.indirect_vreg.scatter [tilespmem:s28], [sflag:$0x1], $0x80, v4, vm0, $0xb8;
	[tilespmem:$0xC100] =	vst v63  }
0xb4: {  	_ = 	snop  }
0xb5: {  	[hbm4b:s5+s2] =	stream.indirect_vreg.scatter [tilespmem:s29], [sflag:$0x1], $0x80, v4, vm0, $0xb8;
	[tilespmem:$0xC100] =	vst v63  }
0xb6: {  	_ = 	snop  }
0xb7: {  	[hbm4b:s3+s2] =	stream.indirect_vreg.scatter [tilespmem:s30], [sflag:$0x1], $0x80, v3, vm0, $0xb8;
	[tilespmem:$0xC100] =	vst v63  }
0xb8: {  	p0 =	sne.s32 s6, $0x1  }
0xb9: {  	[hbm4b:s4+s2] =	stream.indirect_vreg.scatter [tilespmem:s31], [sflag:$0x1], $0x80, v3, vm0, $0xb8;
	[tilespmem:$0xC100] =	vst v63  }
.Ltmp0:
0xba: {  	_ = 	snop;
	(pc) =	sbr.rel @p0 .LBB2_1-.Ltmp0, $4  }
0xbb: {  	[hbm4b:s5+s2] =	stream.indirect_vreg.scatter [tilespmem:s0], [sflag:$0x1], $0x80, v3, vm0, $0xb8;
	[tilespmem:$0xC100] =	vst v63  }
0xbc: {  	_ =	swait.ge [sflag:s1], $0xC000  }
0xbd: {  	[sflag:s1] =	ssyncset.done $0x0  }
0xbe: {  	s6 =	sadd.s32 $0xFFFFFFFF, s6;
	[sflag:s1] =	ssyncadd.s32 $0xFFFF4000  }
0xbf: {  	_ =	sfence.sel $0x180000  }
0xc0: {  	[bflag:$0x0] =	sbarrier.arrive $0xFFFF  }
0xc1: {  	_ =	strace $0x90000047  }
0xc2: {  	s0 =	stileid.u32;
	[bflag:$0x2] =	sbarrier.arrive $0xFFFF  }
0xc3: {  	p0 =	sne.s32 s0, $0x0;
	s0 =	rddreg [dreg:$0x2]  }
0xc4: {  	s0 =	sadd.s32 @!p0 $0x100000, s0  }
0xc5: {  	[sflag:s0] =	ssyncadd.tile.s32 @!p0 $0x1;
	_ =	shalt  }
.Lfunc_end2:
_tile_overlayer_lowered:
.L_overlay_start_2:
0xc6: {  	(tag) =	ssettag $0x2  }
0xc7: {  	s0 =	rddreg [dreg:$0x0];
	s2 =	stileid.u32  }
0xc8: {  	s1 =	rddreg [dreg:$0x1];
	p0 =	sne.s32 s2, $0x0  }
0xc9: {  	s3 =	rddreg [dreg:$0x2];
	[bflag:$0x3] =	sbarrier.arrive $0xFFFF;
	s2 =	simm.s32 @!p0 $0x1C02  }
0xca: {  	[timem:s3], [sflag:s2] =	dma.local @!p0 [hbm:s0], s1  }
0xcb: {  	s0 =	simm.s32 @!p0 $0x2  }
0xcc: {  	_ =	swait.ge @!p0 [sflag:s0], s1  }
0xcd: {  	s1 =	ssub.s32 @!p0 $0x0, s1;
	[sflag:s0] =	ssyncset.done @!p0 $0x0  }
0xce: {  	[sflag:s0] =	ssyncadd.s32 @!p0 s1  }
0xcf: {  	[bflag:$0x3] =	sbarrier.arrive $0xFFFF  }
0xd0: {  	_ =	shalt  }

</sc_bundles>
